<compile_context>
chip_gen: v7x
topology: tpu7x:2x2x1
jax: 0.10.2.dev20260603
libtpu: 0.0.44.dev20260713+nightly
codegen_flags: <defaults>
</compile_context>

<pallas_src>
import functools

import jax
import jax.numpy as jnp
from jax import lax
from jax.experimental import pallas as pl
from jax.experimental.pallas import tpu as pltpu
from jax.experimental.pallas import tpu_sc as plsc

N = 10000
E = 320000
D = 128
DE = 16

NC = 2
NS = 16
NW = NC * NS
EPT = E // NW
C = 80
NCHUNK = EPT // C
NPT = N // NS

_NEG = -3.0e38



def _tc1a_body(x_ref, w_ref, as_ref, ad_ref, we1_ref, ae1_ref, we2_ref,
               ae2_ref, h_ref, asrc_ref, adst_ref, wv1_ref, wv2_ref, m_ref):
    i = pl.program_id(0)
    h = jnp.dot(x_ref[...], w_ref[...], preferred_element_type=jnp.float32)
    h_ref[...] = h
    s = jnp.dot(h, as_ref[...], preferred_element_type=jnp.float32)
    d = jnp.dot(h, ad_ref[...], preferred_element_type=jnp.float32)
    asrc_ref[...] = s
    adst_ref[...] = d

    @pl.when(i == 0)
    def _():
        wv1_ref[...] = jnp.dot(we1_ref[...], ae1_ref[...],
                               preferred_element_type=jnp.float32)
        wv2_ref[...] = jnp.dot(we2_ref[...], ae2_ref[...],
                               preferred_element_type=jnp.float32)
        m_ref[...] = jnp.full((1, 2), _NEG, jnp.float32)

    m = jnp.concatenate([jnp.max(s).reshape(1, 1), jnp.max(d).reshape(1, 1)],
                        axis=1)
    m_ref[...] = jnp.maximum(m_ref[...], m)


def _tc1a(x, w1, a_s, a_d, we1, ae1, we2, ae2):
    nb = 5
    rb = N // nb
    return pl.pallas_call(
        _tc1a_body,
        grid=(nb,),
        in_specs=[
            pl.BlockSpec((rb, D), lambda i: (i, 0)),
            pl.BlockSpec((D, D), lambda i: (0, 0)),
            pl.BlockSpec((D, 1), lambda i: (0, 0)),
            pl.BlockSpec((D, 1), lambda i: (0, 0)),
            pl.BlockSpec((DE, D), lambda i: (0, 0)),
            pl.BlockSpec((D, 1), lambda i: (0, 0)),
            pl.BlockSpec((DE, D), lambda i: (0, 0)),
            pl.BlockSpec((D, 1), lambda i: (0, 0)),
        ],
        out_specs=[
            pl.BlockSpec((rb, D), lambda i: (i, 0)),
            pl.BlockSpec((rb, 1), lambda i: (i, 0)),
            pl.BlockSpec((rb, 1), lambda i: (i, 0)),
            pl.BlockSpec((DE, 1), lambda i: (0, 0)),
            pl.BlockSpec((DE, 1), lambda i: (0, 0)),
            pl.BlockSpec((1, 2), lambda i: (0, 0)),
        ],
        out_shape=[
            jax.ShapeDtypeStruct((N, D), jnp.float32),
            jax.ShapeDtypeStruct((N, 1), jnp.float32),
            jax.ShapeDtypeStruct((N, 1), jnp.float32),
            jax.ShapeDtypeStruct((DE, 1), jnp.float32),
            jax.ShapeDtypeStruct((DE, 1), jnp.float32),
            jax.ShapeDtypeStruct((1, 2), jnp.float32),
        ],
    )(x, w1, a_s, a_d, we1, ae1, we2, ae2)


def _tc_edges_body(ea_ref, wv1_ref, wv2_ref, ae_ref, m_ref):
    i = pl.program_id(0)
    g = lax.broadcasted_iota(jnp.int32, (8, DE, 16), 0)
    c = lax.broadcasted_iota(jnp.int32, (8, DE, 16), 2)
    msk = g == jnp.remainder(c, 8)
    w1 = wv1_ref[...].reshape(1, DE, 1)
    w2 = wv2_ref[...].reshape(1, DE, 1)
    wsel = jnp.where(c < 8, w1, w2)
    b = jnp.where(msk, wsel, 0.0).reshape(D, 16)
    ae = jnp.dot(ea_ref[...], b, preferred_element_type=jnp.float32)
    ae_ref[...] = ae

    @pl.when(i == 0)
    def _():
        m_ref[...] = jnp.full((1, 2), _NEG, jnp.float32)

    m = jnp.concatenate([jnp.max(ae[:, :8]).reshape(1, 1),
                         jnp.max(ae[:, 8:]).reshape(1, 1)], axis=1)
    m_ref[...] = jnp.maximum(m_ref[...], m)


def _tc_edges(ea_r, wv1, wv2):
    er = E // 8
    nb = 5
    rb = er // nb
    return pl.pallas_call(
        _tc_edges_body,
        grid=(nb,),
        in_specs=[
            pl.BlockSpec((rb, D), lambda i: (i, 0)),
            pl.BlockSpec((1, DE), lambda i: (0, 0)),
            pl.BlockSpec((1, DE), lambda i: (0, 0)),
        ],
        out_specs=[
            pl.BlockSpec((rb, 16), lambda i: (i, 0)),
            pl.BlockSpec((1, 2), lambda i: (0, 0)),
        ],
        out_shape=[
            jax.ShapeDtypeStruct((er, 16), jnp.float32),
            jax.ShapeDtypeStruct((1, 2), jnp.float32),
        ],
    )(ea_r, wv1, wv2)


def _tc_mid_body(op_ref, dp_ref, b_ref, w_ref, as_ref, ad_ref,
                 h_ref, asrc_ref, adst_ref, m_ref):
    i = pl.program_id(0)
    num = op_ref[0] + op_ref[1]
    den = dp_ref[0] + dp_ref[1] + 1e-16
    z = jnp.maximum(num / den + b_ref[...], 0.0)
    h = jnp.dot(z, w_ref[...], preferred_element_type=jnp.float32)
    h_ref[...] = h
    s = jnp.dot(h, as_ref[...], preferred_element_type=jnp.float32)
    d = jnp.dot(h, ad_ref[...], preferred_element_type=jnp.float32)
    asrc_ref[...] = s
    adst_ref[...] = d

    @pl.when(i == 0)
    def _():
        m_ref[...] = jnp.full((1, 2), _NEG, jnp.float32)

    m = jnp.concatenate([jnp.max(s).reshape(1, 1), jnp.max(d).reshape(1, 1)],
                        axis=1)
    m_ref[...] = jnp.maximum(m_ref[...], m)


def _tc_mid(outp, denp3, b1, w2, a_s, a_d):
    nb = 5
    rb = N // nb
    return pl.pallas_call(
        _tc_mid_body,
        grid=(nb,),
        in_specs=[
            pl.BlockSpec((2, rb, D), lambda i: (0, i, 0)),
            pl.BlockSpec((2, rb, 1), lambda i: (0, i, 0)),
            pl.BlockSpec((1, D), lambda i: (0, 0)),
            pl.BlockSpec((D, D), lambda i: (0, 0)),
            pl.BlockSpec((D, 1), lambda i: (0, 0)),
            pl.BlockSpec((D, 1), lambda i: (0, 0)),
        ],
        out_specs=[
            pl.BlockSpec((rb, D), lambda i: (i, 0)),
            pl.BlockSpec((rb, 1), lambda i: (i, 0)),
            pl.BlockSpec((rb, 1), lambda i: (i, 0)),
            pl.BlockSpec((1, 2), lambda i: (0, 0)),
        ],
        out_shape=[
            jax.ShapeDtypeStruct((N, D), jnp.float32),
            jax.ShapeDtypeStruct((N, 1), jnp.float32),
            jax.ShapeDtypeStruct((N, 1), jnp.float32),
            jax.ShapeDtypeStruct((1, 2), jnp.float32),
        ],
    )(outp, denp3, b1, w2, a_s, a_d)


def _tc_final_body(op_ref, dp_ref, b_ref, out_ref):
    num = op_ref[0] + op_ref[1]
    den = dp_ref[0] + dp_ref[1] + 1e-16
    out_ref[...] = num / den + b_ref[...]


def _tc_final(outp, denp3, b2):
    nb = 5
    rb = N // nb
    return pl.pallas_call(
        _tc_final_body,
        grid=(nb,),
        in_specs=[
            pl.BlockSpec((2, rb, D), lambda i: (0, i, 0)),
            pl.BlockSpec((2, rb, 1), lambda i: (0, i, 0)),
            pl.BlockSpec((1, D), lambda i: (0, 0)),
        ],
        out_specs=pl.BlockSpec((rb, D), lambda i: (i, 0)),
        out_shape=jax.ShapeDtypeStruct((N, D), jnp.float32),
    )(outp, denp3, b2)



def _sc_gat_body(asrc_h, adst_h, ae_h, srcq_h, dstq_h, h_h, c_h, z2_h, z1_h,
                 outp_h, denp_h,
                 src_a, dst_a, ae_a, sa_a, sb_a, ex_a, rows_a, dss_a,
                 src_b, dst_b, ae_b, sa_b, sb_b, ex_b, rows_b, dss_b,
                 c_v, out_sh, den_sh,
                 st_a, st_b, g_a, g_b, r_a, r_b, d_a, d_b, w_a, w_b):
    cid = lax.axis_index("c")
    sid = lax.axis_index("s")
    wid = cid * NS + sid
    base = wid * EPT

    buf = ((src_a, dst_a, ae_a, sa_a, sb_a, ex_a, rows_a, dss_a,
            st_a, g_a, r_a, d_a, w_a),
           (src_b, dst_b, ae_b, sa_b, sb_b, ex_b, rows_b, dss_b,
            st_b, g_b, r_b, d_b, w_b))

    pltpu.sync_copy(c_h, c_v)

    @pl.when(sid == 0)
    def _():
        pltpu.sync_copy(z2_h, out_sh)
        pltpu.sync_copy(z1_h, den_sh)

    plsc.subcore_barrier()

    cv = c_v[...]

    def stage_in(ci, p):
        src_c, dst_c, ae_c = buf[p][0], buf[p][1], buf[p][2]
        st = buf[p][8]
        off = pl.multiple_of(base + ci * C, C)
        pltpu.async_copy(srcq_h.at[pl.ds(off, C)], src_c, st)
        pltpu.async_copy(dstq_h.at[pl.ds(off, C)], dst_c, st)
        pltpu.async_copy(ae_h.at[pl.ds(off, C)], ae_c, st)

    def wait_stage(p):
        src_c, dst_c, ae_c = buf[p][0], buf[p][1], buf[p][2]
        st = buf[p][8]
        off0 = pl.ds(0, C)
        pltpu.make_async_copy(srcq_h.at[off0], src_c, st).wait()
        pltpu.make_async_copy(dstq_h.at[off0], dst_c, st).wait()
        pltpu.make_async_copy(ae_h.at[off0], ae_c, st).wait()

    def issue_gathers(p):
        src_c, dst_c, sa_c, sb_c, rows_v = (buf[p][0], buf[p][1], buf[p][3],
                                            buf[p][4], buf[p][6])
        g, r = buf[p][9], buf[p][10]
        pass
        pass
        pass

    def wait_scatters(p):
        ex_c, rows_v, dss_c = buf[p][5], buf[p][6], buf[p][7]
        d, w = buf[p][11], buf[p][12]
        pass

    def compute_chunk(p, first):
        q = 1 - p
        (src_c, dst_c, ae_c, sa_c, sb_c, ex_c, rows_v, dss_c,
         st, g, r, d, w) = buf[p]
        pass
        pass
        for j in range(C // 16):
            sl = pl.ds(j * 16, 16)
            t = sa_c[sl] + sb_c[sl] + ae_c[sl]
            t = jnp.maximum(t, 0.2 * t)
            ex_c[sl] = jnp.exp(t - cv)
            dss_c[sl] = dst_c[sl]
        pass
        pass

        def row(rr, _):
            spl = plsc.load_gather(ex_c, [jnp.full((16,), rr, jnp.int32)])
            for j in range(8):
                sl = pl.ds(j * 16, 16)
                rows_v[rr, sl] = rows_v[rr, sl] * spl
            return 0

        if first is None:
            wait_scatters(q)
        else:
            @pl.when(jnp.logical_not(first))
            def _():
                wait_scatters(q)

    plsc.subcore_barrier()

    @pl.when(sid == 0)
    def _():
        pltpu.sync_copy(out_sh, outp_h.at[cid])
        pltpu.sync_copy(den_sh, denp_h.at[cid, 0])


def _sc_layer(asrc, adst, ae, srcq, dstq, h, cvec, z2, z1):
    mesh = plsc.VectorSubcoreMesh(core_axis_name="c", subcore_axis_name="s")
    f = pl.kernel(
        _sc_gat_body,
        out_type=[
            jax.ShapeDtypeStruct((NC, N, D), jnp.float32),
            jax.ShapeDtypeStruct((NC, 1, N), jnp.float32),
        ],
        mesh=mesh,
        scratch_types=(
            [pltpu.VMEM((C,), jnp.int32),
             pltpu.VMEM((C,), jnp.int32),
             pltpu.VMEM((C,), jnp.float32),
             pltpu.VMEM((C,), jnp.float32),
             pltpu.VMEM((C,), jnp.float32),
             pltpu.VMEM((C,), jnp.float32),
             pltpu.VMEM((C, D), jnp.float32),
             pltpu.VMEM((C,), jnp.int32)] * 2 +
            [pltpu.VMEM((16,), jnp.float32),
             pltpu.VMEM_SHARED((N, D), jnp.float32),
             pltpu.VMEM_SHARED((N,), jnp.float32)] +
            [pltpu.SemaphoreType.DMA] * 10
        ),
        compiler_params=pltpu.CompilerParams(needs_layout_passes=False),
    )
    return f(asrc, adst, ae, srcq, dstq, h, cvec, z2, z1)



def _lrelu(t):
    return jnp.maximum(t, 0.2 * t)


def kernel(x, edge_index, edge_attr, W1, a_src1, a_dst1, We1, a_e1, b1,
           W2, a_src2, a_dst2, We2, a_e2, b2):
    f32 = jnp.float32
    src = edge_index[0].astype(jnp.int32).reshape(E)
    dst = edge_index[1].astype(jnp.int32).reshape(E)
    ea_r = edge_attr.astype(f32).reshape(E // 8, D)
    z2 = jnp.zeros((N, D), f32)
    z1 = jnp.zeros((N,), f32)

    h1, asrc1, adst1, wv1, wv2, m1 = _tc1a(
        x.astype(f32), W1.astype(f32),
        a_src1.astype(f32).reshape(D, 1), a_dst1.astype(f32).reshape(D, 1),
        We1.astype(f32), a_e1.astype(f32).reshape(D, 1),
        We2.astype(f32), a_e2.astype(f32).reshape(D, 1))

    ae12, mae = _tc_edges(ea_r, wv1.reshape(1, DE), wv2.reshape(1, DE))
    ae1 = ae12[:, :8].reshape(E)
    ae2 = ae12[:, 8:].reshape(E)

    c1 = _lrelu(m1[0, 0] + m1[0, 1] + mae[0, 0])
    c1v = jnp.broadcast_to(c1, (16,)).astype(f32)
    outp1, denp1 = _sc_layer(asrc1.reshape(N), adst1.reshape(N), ae1,
                             src, dst, h1, c1v, z2, z1)

    h2, asrc2, adst2, m2 = _tc_mid(outp1, denp1.reshape(NC, N, 1),
                                   b1.astype(f32).reshape(1, D),
                                   W2.astype(f32),
                                   a_src2.astype(f32).reshape(D, 1),
                                   a_dst2.astype(f32).reshape(D, 1))

    c2 = _lrelu(m2[0, 0] + m2[0, 1] + mae[0, 1])
    c2v = jnp.broadcast_to(c2, (16,)).astype(f32)
    outp2, denp2 = _sc_layer(asrc2.reshape(N), adst2.reshape(N), ae2,
                             src, dst, h2, c2v, z2, z1)

    out = _tc_final(outp2, denp2.reshape(NC, N, 1),
                    b2.astype(f32).reshape(1, D))
    return out

# --- scband reference (transcript-rebuilt; emitter-appended) ---
"""Pipeline reference for scband-my-gat-conv-71614284694253 (READ-ONLY COPY).

The authoritative reference and input builder live on the scoring server;
editing this copy changes nothing except your own understanding.
"""

import jax, jax.numpy as jnp
import numpy as np

N = 10000
E = 320000
D_IN = 128
D_HID = 128
D_OUT = 128
D_EDGE = 16


def setup_inputs(seed: int = 0) -> dict:
    key = jax.random.key(seed)
    ks = jax.random.split(key, 16)
    x = jax.random.normal(ks[0], (N, D_IN), dtype=jnp.float32)
    edge_index = jax.random.randint(ks[1], (2, E), 0, N, dtype=jnp.int64)
    edge_attr = jax.random.normal(ks[2], (E, D_EDGE), dtype=jnp.float32)
    s1 = 1.0 / np.sqrt(D_IN)
    s2 = 1.0 / np.sqrt(D_HID)
    se = 1.0 / np.sqrt(D_EDGE)
    return {
        "x": x,
        "edge_index": edge_index,
        "edge_attr": edge_attr,
        "W1": jax.random.normal(ks[3], (D_IN, D_HID), dtype=jnp.float32) * s1,
        "a_src1": jax.random.normal(ks[4], (D_HID,), dtype=jnp.float32) * s2,
        "a_dst1": jax.random.normal(ks[5], (D_HID,), dtype=jnp.float32) * s2,
        "We1": jax.random.normal(ks[6], (D_EDGE, D_HID), dtype=jnp.float32) * se,
        "a_e1": jax.random.normal(ks[7], (D_HID,), dtype=jnp.float32) * s2,
        "b1": jnp.zeros((D_HID,), dtype=jnp.float32),
        "W2": jax.random.normal(ks[8], (D_HID, D_OUT), dtype=jnp.float32) * s2,
        "a_src2": jax.random.normal(ks[9], (D_OUT,), dtype=jnp.float32) * s2,
        "a_dst2": jax.random.normal(ks[10], (D_OUT,), dtype=jnp.float32) * s2,
        "We2": jax.random.normal(ks[11], (D_EDGE, D_OUT), dtype=jnp.float32) * se,
        "a_e2": jax.random.normal(ks[12], (D_OUT,), dtype=jnp.float32) * s2,
        "b2": jnp.zeros((D_OUT,), dtype=jnp.float32),
    }


def _gat_layer(x, src, dst, edge_attr, W, a_s, a_d, We, a_e, b, n_nodes):
    # PyG GATConv (heads=1, edge_dim=D_EDGE) math
    h = x @ W                                   # [N, out]
    alpha_src = (h * a_s).sum(-1)               # [N]
    alpha_dst = (h * a_d).sum(-1)               # [N]
    he = edge_attr @ We                         # [E, out]
    alpha_edge = (he * a_e).sum(-1)             # [E]
    e = alpha_src[src] + alpha_dst[dst] + alpha_edge
    e = jax.nn.leaky_relu(e, negative_slope=0.2)
    emax = jax.ops.segment_max(e, dst, num_segments=n_nodes)
    emax = jnp.where(jnp.isfinite(emax), emax, 0.0)
    ex = jnp.exp(e - emax[dst])
    denom = jax.ops.segment_sum(ex, dst, num_segments=n_nodes)
    alpha = ex / (denom[dst] + 1e-16)
    out = jax.ops.segment_sum(alpha[:, None] * h[src], dst, num_segments=n_nodes)
    return out + b


def reference(x, edge_index, edge_attr, W1, a_src1, a_dst1, We1, a_e1, b1, W2, a_src2, a_dst2, We2, a_e2, b2):
    src = edge_index[0]
    dst = edge_index[1]
    # dropout(p=0.4) is identity in eval mode
    h = _gat_layer(x, src, dst, edge_attr, W1, a_src1, a_dst1, We1, a_e1, b1, N)
    h = jax.nn.relu(h)
    # dropout identity in eval mode
    out = _gat_layer(h, src, dst, edge_attr, W2, a_src2, a_dst2, We2, a_e2, b2, N)
    return out

if __name__ == "__main__":
    import jax
    _d = setup_inputs()
    print(jax.jit(kernel)(*tuple(_d.values())))

</pallas_src>

<mosaic_0001>
#map = affine_map<(d0, d1) -> (0)>
#map1 = affine_map<(d0, d1) -> (0, 0)>
#map2 = affine_map<(d0, d1) -> (0, 0, 0)>
module attributes {stable_mosaic.version = 14 : i64} {
  func.func @_sc_gat_body(%arg0: i32, %arg1: i32, %arg2: memref<10000xf32, #tpu.memory_space<hbm>>, %arg3: memref<10000xf32, #tpu.memory_space<hbm>>, %arg4: memref<320000xf32, #tpu.memory_space<hbm>>, %arg5: memref<320000xi32, #tpu.memory_space<hbm>>, %arg6: memref<320000xi32, #tpu.memory_space<hbm>>, %arg7: memref<10000x128xf32, #tpu.memory_space<hbm>>, %arg8: memref<16xf32, #tpu.memory_space<hbm>>, %arg9: memref<10000x128xf32, #tpu.memory_space<hbm>>, %arg10: memref<10000xf32, #tpu.memory_space<hbm>>, %arg11: memref<2x10000x128xf32, #tpu.memory_space<hbm>>, %arg12: memref<2x1x10000xf32, #tpu.memory_space<hbm>>, %arg13: memref<80xi32, #tpu.memory_space<vmem>>, %arg14: memref<80xi32, #tpu.memory_space<vmem>>, %arg15: memref<80xf32, #tpu.memory_space<vmem>>, %arg16: memref<80xf32, #tpu.memory_space<vmem>>, %arg17: memref<80xf32, #tpu.memory_space<vmem>>, %arg18: memref<80xf32, #tpu.memory_space<vmem>>, %arg19: memref<80x128xf32, #tpu.memory_space<vmem>>, %arg20: memref<80xi32, #tpu.memory_space<vmem>>, %arg21: memref<80xi32, #tpu.memory_space<vmem>>, %arg22: memref<80xi32, #tpu.memory_space<vmem>>, %arg23: memref<80xf32, #tpu.memory_space<vmem>>, %arg24: memref<80xf32, #tpu.memory_space<vmem>>, %arg25: memref<80xf32, #tpu.memory_space<vmem>>, %arg26: memref<80xf32, #tpu.memory_space<vmem>>, %arg27: memref<80x128xf32, #tpu.memory_space<vmem>>, %arg28: memref<80xi32, #tpu.memory_space<vmem>>, %arg29: memref<16xf32, #tpu.memory_space<vmem>>, %arg30: memref<10000x128xf32, #tpu.memory_space<vmem_shared>>, %arg31: memref<10000xf32, #tpu.memory_space<vmem_shared>>, %arg32: memref<!tpu.dma_semaphore, #tpu.memory_space<semaphore_mem>>, %arg33: memref<!tpu.dma_semaphore, #tpu.memory_space<semaphore_mem>>, %arg34: memref<!tpu.dma_semaphore, #tpu.memory_space<semaphore_mem>>, %arg35: memref<!tpu.dma_semaphore, #tpu.memory_space<semaphore_mem>>, %arg36: memref<!tpu.dma_semaphore, #tpu.memory_space<semaphore_mem>>, %arg37: memref<!tpu.dma_semaphore, #tpu.memory_space<semaphore_mem>>, %arg38: memref<!tpu.dma_semaphore, #tpu.memory_space<semaphore_mem>>, %arg39: memref<!tpu.dma_semaphore, #tpu.memory_space<semaphore_mem>>, %arg40: memref<!tpu.dma_semaphore, #tpu.memory_space<semaphore_mem>>, %arg41: memref<!tpu.dma_semaphore, #tpu.memory_space<semaphore_mem>>) attributes {dimension_semantics = [#tpu.dimension_semantics<core_parallel>, #tpu.dimension_semantics<subcore_parallel>], iteration_bounds = array<i64: 2, 16>, scalar_prefetch = 0 : i64, scratch_operands = 29 : i64, tpu.core_type = #tpu.core_type<sc_vector_subcore>, window_params = [{transform_indices = #map}, {transform_indices = #map}, {transform_indices = #map}, {transform_indices = #map}, {transform_indices = #map}, {transform_indices = #map1}, {transform_indices = #map}, {transform_indices = #map1}, {transform_indices = #map}, {transform_indices = #map2}, {transform_indices = #map2}]} {
    %mul3A = arith.constant 16 : i32
    %mul3A_0 = arith.muli %arg0, %mul3A : i32
    %add3A = arith.addi %mul3A_0, %arg1 : i32
    %mul3A_1 = arith.constant 10000 : i32
    %mul3A_2 = arith.muli %add3A, %mul3A_1 : i32
    "tpu.region"() ({
      %run_scoped3A = tpu.sem_alloc : memref<!tpu.dma_semaphore, #tpu.memory_space<semaphore_mem>>
      tpu.enqueue_dma source(%arg8 : memref<16xf32, #tpu.memory_space<hbm>>) target(%arg29 : memref<16xf32, #tpu.memory_space<vmem>>) target_semaphore(%run_scoped3A : memref<!tpu.dma_semaphore, #tpu.memory_space<semaphore_mem>>)
      tpu.wait_dma2 semaphore(%run_scoped3A : memref<!tpu.dma_semaphore, #tpu.memory_space<semaphore_mem>>) src(%arg8 : memref<16xf32, #tpu.memory_space<hbm>>) dst(%arg29 : memref<16xf32, #tpu.memory_space<vmem>>)
      tpu.yield
    }) : () -> ()
    %eq3A = arith.constant 0 : i32
    %eq3A_3 = arith.cmpi eq, %arg1, %eq3A : i32
    %convert_element_type3A = arith.extui %eq3A_3 : i1 to i32
    %cond3A = arith.constant 0 : i32
    %cond3A_4 = arith.cmpi ne, %convert_element_type3A, %cond3A : i32
    scf.if %cond3A_4 {
      "tpu.region"() ({
        %run_scoped3A = tpu.sem_alloc : memref<!tpu.dma_semaphore, #tpu.memory_space<semaphore_mem>>
        tpu.enqueue_dma source(%arg9 : memref<10000x128xf32, #tpu.memory_space<hbm>>) target(%arg30 : memref<10000x128xf32, #tpu.memory_space<vmem_shared>>) target_semaphore(%run_scoped3A : memref<!tpu.dma_semaphore, #tpu.memory_space<semaphore_mem>>)
        tpu.wait_dma2 semaphore(%run_scoped3A : memref<!tpu.dma_semaphore, #tpu.memory_space<semaphore_mem>>) src(%arg9 : memref<10000x128xf32, #tpu.memory_space<hbm>>) dst(%arg30 : memref<10000x128xf32, #tpu.memory_space<vmem_shared>>)
        tpu.yield
      }) : () -> ()
      "tpu.region"() ({
        %run_scoped3A = tpu.sem_alloc : memref<!tpu.dma_semaphore, #tpu.memory_space<semaphore_mem>>
        tpu.enqueue_dma source(%arg10 : memref<10000xf32, #tpu.memory_space<hbm>>) target(%arg31 : memref<10000xf32, #tpu.memory_space<vmem_shared>>) target_semaphore(%run_scoped3A : memref<!tpu.dma_semaphore, #tpu.memory_space<semaphore_mem>>)
        tpu.wait_dma2 semaphore(%run_scoped3A : memref<!tpu.dma_semaphore, #tpu.memory_space<semaphore_mem>>) src(%arg10 : memref<10000xf32, #tpu.memory_space<hbm>>) dst(%arg31 : memref<10000xf32, #tpu.memory_space<vmem_shared>>)
        tpu.yield
      }) : () -> ()
    } else {
    }
    %barrier3A = arith.constant 0 : index
    tpu.barrier barrier_id(%barrier3A)
    %get3A = arith.constant 0 : index
    %get3A_5 = tpu.vector_load %arg29[%get3A] {strides = array<i32>} : memref<16xf32, #tpu.memory_space<vmem>>, vector<16xf32>,
    %barrier3A_6 = arith.constant 0 : index
    tpu.barrier barrier_id(%barrier3A_6)
    %eq3A_7 = arith.constant 0 : i32
    %eq3A_8 = arith.cmpi eq, %arg1, %eq3A_7 : i32
    %convert_element_type3A_9 = arith.extui %eq3A_8 : i1 to i32
    %cond3A_10 = arith.constant 0 : i32
    %cond3A_11 = arith.cmpi ne, %convert_element_type3A_9, %cond3A_10 : i32
    scf.if %cond3A_11 {
      "tpu.region"() ({
        %run_scoped3A_12 = tpu.sem_alloc : memref<!tpu.dma_semaphore, #tpu.memory_space<semaphore_mem>>
        %dma_start3A = arith.constant 0 : i32
        %dma_start3A_13 = arith.constant 0 : i32
        %dma_start3A_14 = tpu.memref_slice %arg11[%arg0, %dma_start3A, %dma_start3A_13] : memref<2x10000x128xf32, #tpu.memory_space<hbm>> -> memref<1x10000x128xf32, #tpu.memory_space<hbm>>
        %dma_start3A_15 = tpu.memref_squeeze %dma_start3A_14 : memref<1x10000x128xf32, #tpu.memory_space<hbm>> -> memref<10000x128xf32, #tpu.memory_space<hbm>>
        tpu.enqueue_dma source(%arg30 : memref<10000x128xf32, #tpu.memory_space<vmem_shared>>) target(%dma_start3A_15 : memref<10000x128xf32, #tpu.memory_space<hbm>>) target_semaphore(%run_scoped3A_12 : memref<!tpu.dma_semaphore, #tpu.memory_space<semaphore_mem>>)
        %dma_wait3A = arith.constant 0 : i32
        %dma_wait3A_16 = arith.constant 0 : i32
        %dma_wait3A_17 = tpu.memref_slice %arg11[%arg0, %dma_wait3A, %dma_wait3A_16] : memref<2x10000x128xf32, #tpu.memory_space<hbm>> -> memref<1x10000x128xf32, #tpu.memory_space<hbm>>
        %dma_wait3A_18 = tpu.memref_squeeze %dma_wait3A_17 : memref<1x10000x128xf32, #tpu.memory_space<hbm>> -> memref<10000x128xf32, #tpu.memory_space<hbm>>
        tpu.wait_dma2 semaphore(%run_scoped3A_12 : memref<!tpu.dma_semaphore, #tpu.memory_space<semaphore_mem>>) src(%arg30 : memref<10000x128xf32, #tpu.memory_space<vmem_shared>>) dst(%dma_wait3A_18 : memref<10000x128xf32, #tpu.memory_space<hbm>>)
        tpu.yield
      }) : () -> ()
      %run_scoped3A = arith.constant 0 : i32
      "tpu.region"() ({
        %run_scoped3A_12 = tpu.sem_alloc : memref<!tpu.dma_semaphore, #tpu.memory_space<semaphore_mem>>
        %dma_start3A = arith.constant 0 : i32
        %dma_start3A_13 = tpu.memref_slice %arg12[%arg0, %run_scoped3A, %dma_start3A] : memref<2x1x10000xf32, #tpu.memory_space<hbm>> -> memref<1x1x10000xf32, #tpu.memory_space<hbm>>
        %dma_start3A_14 = tpu.memref_squeeze %dma_start3A_13 : memref<1x1x10000xf32, #tpu.memory_space<hbm>> -> memref<10000xf32, #tpu.memory_space<hbm>>
        tpu.enqueue_dma source(%arg31 : memref<10000xf32, #tpu.memory_space<vmem_shared>>) target(%dma_start3A_14 : memref<10000xf32, #tpu.memory_space<hbm>>) target_semaphore(%run_scoped3A_12 : memref<!tpu.dma_semaphore, #tpu.memory_space<semaphore_mem>>)
        %dma_wait3A = arith.constant 0 : i32
        %dma_wait3A_15 = tpu.memref_slice %arg12[%arg0, %run_scoped3A, %dma_wait3A] : memref<2x1x10000xf32, #tpu.memory_space<hbm>> -> memref<1x1x10000xf32, #tpu.memory_space<hbm>>
        %dma_wait3A_16 = tpu.memref_squeeze %dma_wait3A_15 : memref<1x1x10000xf32, #tpu.memory_space<hbm>> -> memref<10000xf32, #tpu.memory_space<hbm>>
        tpu.wait_dma2 semaphore(%run_scoped3A_12 : memref<!tpu.dma_semaphore, #tpu.memory_space<semaphore_mem>>) src(%arg31 : memref<10000xf32, #tpu.memory_space<vmem_shared>>) dst(%dma_wait3A_16 : memref<10000xf32, #tpu.memory_space<hbm>>)
        tpu.yield
      }) : () -> ()
    } else {
    }
    return
  }
}

#map = affine_map<(d0, d1) -> (0)>
#map1 = affine_map<(d0, d1) -> (0, 0)>
#map2 = affine_map<(d0, d1) -> (0, 0, 0)>
module attributes {stable_mosaic.version = 14 : i64} {
  func.func @_sc_gat_body(%arg0: i32, %arg1: i32, %arg2: memref<10000xf32, #tpu.memory_space<hbm>>, %arg3: memref<10000xf32, #tpu.memory_space<hbm>>, %arg4: memref<320000xf32, #tpu.memory_space<hbm>>, %arg5: memref<320000xi32, #tpu.memory_space<hbm>>, %arg6: memref<320000xi32, #tpu.memory_space<hbm>>, %arg7: memref<10000x128xf32, #tpu.memory_space<hbm>>, %arg8: memref<16xf32, #tpu.memory_space<hbm>>, %arg9: memref<10000x128xf32, #tpu.memory_space<hbm>>, %arg10: memref<10000xf32, #tpu.memory_space<hbm>>, %arg11: memref<2x10000x128xf32, #tpu.memory_space<hbm>>, %arg12: memref<2x1x10000xf32, #tpu.memory_space<hbm>>, %arg13: memref<80xi32, #tpu.memory_space<vmem>>, %arg14: memref<80xi32, #tpu.memory_space<vmem>>, %arg15: memref<80xf32, #tpu.memory_space<vmem>>, %arg16: memref<80xf32, #tpu.memory_space<vmem>>, %arg17: memref<80xf32, #tpu.memory_space<vmem>>, %arg18: memref<80xf32, #tpu.memory_space<vmem>>, %arg19: memref<80x128xf32, #tpu.memory_space<vmem>>, %arg20: memref<80xi32, #tpu.memory_space<vmem>>, %arg21: memref<80xi32, #tpu.memory_space<vmem>>, %arg22: memref<80xi32, #tpu.memory_space<vmem>>, %arg23: memref<80xf32, #tpu.memory_space<vmem>>, %arg24: memref<80xf32, #tpu.memory_space<vmem>>, %arg25: memref<80xf32, #tpu.memory_space<vmem>>, %arg26: memref<80xf32, #tpu.memory_space<vmem>>, %arg27: memref<80x128xf32, #tpu.memory_space<vmem>>, %arg28: memref<80xi32, #tpu.memory_space<vmem>>, %arg29: memref<16xf32, #tpu.memory_space<vmem>>, %arg30: memref<10000x128xf32, #tpu.memory_space<vmem_shared>>, %arg31: memref<10000xf32, #tpu.memory_space<vmem_shared>>, %arg32: memref<!tpu.dma_semaphore, #tpu.memory_space<semaphore_mem>>, %arg33: memref<!tpu.dma_semaphore, #tpu.memory_space<semaphore_mem>>, %arg34: memref<!tpu.dma_semaphore, #tpu.memory_space<semaphore_mem>>, %arg35: memref<!tpu.dma_semaphore, #tpu.memory_space<semaphore_mem>>, %arg36: memref<!tpu.dma_semaphore, #tpu.memory_space<semaphore_mem>>, %arg37: memref<!tpu.dma_semaphore, #tpu.memory_space<semaphore_mem>>, %arg38: memref<!tpu.dma_semaphore, #tpu.memory_space<semaphore_mem>>, %arg39: memref<!tpu.dma_semaphore, #tpu.memory_space<semaphore_mem>>, %arg40: memref<!tpu.dma_semaphore, #tpu.memory_space<semaphore_mem>>, %arg41: memref<!tpu.dma_semaphore, #tpu.memory_space<semaphore_mem>>) attributes {dimension_semantics = [#tpu.dimension_semantics<core_parallel>, #tpu.dimension_semantics<subcore_parallel>], iteration_bounds = array<i64: 2, 16>, scalar_prefetch = 0 : i64, scratch_operands = 29 : i64, tpu.core_type = #tpu.core_type<sc_vector_subcore>, window_params = [{transform_indices = #map}, {transform_indices = #map}, {transform_indices = #map}, {transform_indices = #map}, {transform_indices = #map}, {transform_indices = #map1}, {transform_indices = #map}, {transform_indices = #map1}, {transform_indices = #map}, {transform_indices = #map2}, {transform_indices = #map2}]} {
    %mul3A = arith.constant 16 : i32
    %mul3A_0 = arith.muli %arg0, %mul3A : i32
    %add3A = arith.addi %mul3A_0, %arg1 : i32
    %mul3A_1 = arith.constant 10000 : i32
    %mul3A_2 = arith.muli %add3A, %mul3A_1 : i32
    "tpu.region"() ({
      %run_scoped3A = tpu.sem_alloc : memref<!tpu.dma_semaphore, #tpu.memory_space<semaphore_mem>>
      tpu.enqueue_dma source(%arg8 : memref<16xf32, #tpu.memory_space<hbm>>) target(%arg29 : memref<16xf32, #tpu.memory_space<vmem>>) target_semaphore(%run_scoped3A : memref<!tpu.dma_semaphore, #tpu.memory_space<semaphore_mem>>)
      tpu.wait_dma2 semaphore(%run_scoped3A : memref<!tpu.dma_semaphore, #tpu.memory_space<semaphore_mem>>) src(%arg8 : memref<16xf32, #tpu.memory_space<hbm>>) dst(%arg29 : memref<16xf32, #tpu.memory_space<vmem>>)
      tpu.yield
    }) : () -> ()
    %eq3A = arith.constant 0 : i32
    %eq3A_3 = arith.cmpi eq, %arg1, %eq3A : i32
    %convert_element_type3A = arith.extui %eq3A_3 : i1 to i32
    %cond3A = arith.constant 0 : i32
    %cond3A_4 = arith.cmpi ne, %convert_element_type3A, %cond3A : i32
    scf.if %cond3A_4 {
      "tpu.region"() ({
        %run_scoped3A = tpu.sem_alloc : memref<!tpu.dma_semaphore, #tpu.memory_space<semaphore_mem>>
        tpu.enqueue_dma source(%arg9 : memref<10000x128xf32, #tpu.memory_space<hbm>>) target(%arg30 : memref<10000x128xf32, #tpu.memory_space<vmem_shared>>) target_semaphore(%run_scoped3A : memref<!tpu.dma_semaphore, #tpu.memory_space<semaphore_mem>>)
        tpu.wait_dma2 semaphore(%run_scoped3A : memref<!tpu.dma_semaphore, #tpu.memory_space<semaphore_mem>>) src(%arg9 : memref<10000x128xf32, #tpu.memory_space<hbm>>) dst(%arg30 : memref<10000x128xf32, #tpu.memory_space<vmem_shared>>)
        tpu.yield
      }) : () -> ()
      "tpu.region"() ({
        %run_scoped3A = tpu.sem_alloc : memref<!tpu.dma_semaphore, #tpu.memory_space<semaphore_mem>>
        tpu.enqueue_dma source(%arg10 : memref<10000xf32, #tpu.memory_space<hbm>>) target(%arg31 : memref<10000xf32, #tpu.memory_space<vmem_shared>>) target_semaphore(%run_scoped3A : memref<!tpu.dma_semaphore, #tpu.memory_space<semaphore_mem>>)
        tpu.wait_dma2 semaphore(%run_scoped3A : memref<!tpu.dma_semaphore, #tpu.memory_space<semaphore_mem>>) src(%arg10 : memref<10000xf32, #tpu.memory_space<hbm>>) dst(%arg31 : memref<10000xf32, #tpu.memory_space<vmem_shared>>)
        tpu.yield
      }) : () -> ()
    } else {
    }
    %barrier3A = arith.constant 0 : index
    tpu.barrier barrier_id(%barrier3A)
    %get3A = arith.constant 0 : index
    %get3A_5 = tpu.vector_load %arg29[%get3A] {strides = array<i32>} : memref<16xf32, #tpu.memory_space<vmem>>, vector<16xf32>,
    %barrier3A_6 = arith.constant 0 : index
    tpu.barrier barrier_id(%barrier3A_6)
    %eq3A_7 = arith.constant 0 : i32
    %eq3A_8 = arith.cmpi eq, %arg1, %eq3A_7 : i32
    %convert_element_type3A_9 = arith.extui %eq3A_8 : i1 to i32
    %cond3A_10 = arith.constant 0 : i32
    %cond3A_11 = arith.cmpi ne, %convert_element_type3A_9, %cond3A_10 : i32
    scf.if %cond3A_11 {
      "tpu.region"() ({
        %run_scoped3A_12 = tpu.sem_alloc : memref<!tpu.dma_semaphore, #tpu.memory_space<semaphore_mem>>
        %dma_start3A = arith.constant 0 : i32
        %dma_start3A_13 = arith.constant 0 : i32
        %dma_start3A_14 = tpu.memref_slice %arg11[%arg0, %dma_start3A, %dma_start3A_13] : memref<2x10000x128xf32, #tpu.memory_space<hbm>> -> memref<1x10000x128xf32, #tpu.memory_space<hbm>>
        %dma_start3A_15 = tpu.memref_squeeze %dma_start3A_14 : memref<1x10000x128xf32, #tpu.memory_space<hbm>> -> memref<10000x128xf32, #tpu.memory_space<hbm>>
        tpu.enqueue_dma source(%arg30 : memref<10000x128xf32, #tpu.memory_space<vmem_shared>>) target(%dma_start3A_15 : memref<10000x128xf32, #tpu.memory_space<hbm>>) target_semaphore(%run_scoped3A_12 : memref<!tpu.dma_semaphore, #tpu.memory_space<semaphore_mem>>)
        %dma_wait3A = arith.constant 0 : i32
        %dma_wait3A_16 = arith.constant 0 : i32
        %dma_wait3A_17 = tpu.memref_slice %arg11[%arg0, %dma_wait3A, %dma_wait3A_16] : memref<2x10000x128xf32, #tpu.memory_space<hbm>> -> memref<1x10000x128xf32, #tpu.memory_space<hbm>>
        %dma_wait3A_18 = tpu.memref_squeeze %dma_wait3A_17 : memref<1x10000x128xf32, #tpu.memory_space<hbm>> -> memref<10000x128xf32, #tpu.memory_space<hbm>>
        tpu.wait_dma2 semaphore(%run_scoped3A_12 : memref<!tpu.dma_semaphore, #tpu.memory_space<semaphore_mem>>) src(%arg30 : memref<10000x128xf32, #tpu.memory_space<vmem_shared>>) dst(%dma_wait3A_18 : memref<10000x128xf32, #tpu.memory_space<hbm>>)
        tpu.yield
      }) : () -> ()
      %run_scoped3A = arith.constant 0 : i32
      "tpu.region"() ({
        %run_scoped3A_12 = tpu.sem_alloc : memref<!tpu.dma_semaphore, #tpu.memory_space<semaphore_mem>>
        %dma_start3A = arith.constant 0 : i32
        %dma_start3A_13 = tpu.memref_slice %arg12[%arg0, %run_scoped3A, %dma_start3A] : memref<2x1x10000xf32, #tpu.memory_space<hbm>> -> memref<1x1x10000xf32, #tpu.memory_space<hbm>>
        %dma_start3A_14 = tpu.memref_squeeze %dma_start3A_13 : memref<1x1x10000xf32, #tpu.memory_space<hbm>> -> memref<10000xf32, #tpu.memory_space<hbm>>
        tpu.enqueue_dma source(%arg31 : memref<10000xf32, #tpu.memory_space<vmem_shared>>) target(%dma_start3A_14 : memref<10000xf32, #tpu.memory_space<hbm>>) target_semaphore(%run_scoped3A_12 : memref<!tpu.dma_semaphore, #tpu.memory_space<semaphore_mem>>)
        %dma_wait3A = arith.constant 0 : i32
        %dma_wait3A_15 = tpu.memref_slice %arg12[%arg0, %run_scoped3A, %dma_wait3A] : memref<2x1x10000xf32, #tpu.memory_space<hbm>> -> memref<1x1x10000xf32, #tpu.memory_space<hbm>>
        %dma_wait3A_16 = tpu.memref_squeeze %dma_wait3A_15 : memref<1x1x10000xf32, #tpu.memory_space<hbm>> -> memref<10000xf32, #tpu.memory_space<hbm>>
        tpu.wait_dma2 semaphore(%run_scoped3A_12 : memref<!tpu.dma_semaphore, #tpu.memory_space<semaphore_mem>>) src(%arg31 : memref<10000xf32, #tpu.memory_space<vmem_shared>>) dst(%dma_wait3A_16 : memref<10000xf32, #tpu.memory_space<hbm>>)
        tpu.yield
      }) : () -> ()
    } else {
    }
    return
  }
}

module attributes {stable_mosaic.version = 14 : i64} {
  func.func @_tc1a_body(%arg0: i32, %arg1: memref<2000x128xf32, #tpu.memory_space<vmem>>, %arg2: memref<128x128xf32, #tpu.memory_space<vmem>>, %arg3: memref<128x1xf32, #tpu.memory_space<vmem>>, %arg4: memref<128x1xf32, #tpu.memory_space<vmem>>, %arg5: memref<16x128xf32, #tpu.memory_space<vmem>>, %arg6: memref<128x1xf32, #tpu.memory_space<vmem>>, %arg7: memref<16x128xf32, #tpu.memory_space<vmem>>, %arg8: memref<128x1xf32, #tpu.memory_space<vmem>>, %arg9: memref<2000x128xf32, #tpu.memory_space<vmem>>, %arg10: memref<2000x1xf32, #tpu.memory_space<vmem>>, %arg11: memref<2000x1xf32, #tpu.memory_space<vmem>>, %arg12: memref<16x1xf32, #tpu.memory_space<vmem>>, %arg13: memref<16x1xf32, #tpu.memory_space<vmem>>, %arg14: memref<1x2xf32, #tpu.memory_space<vmem>>) attributes {dimension_semantics = [#tpu.dimension_semantics<arbitrary>], iteration_bounds = array<i64: 5>, scalar_prefetch = 0 : i64, scratch_operands = 0 : i64, tpu.core_type = #tpu.core_type<tc>, window_params = [{transform_indices = @transform_0, window_bounds = array<i64: 2000, 128>}, {pipeline_mode = #tpu.pipeline_mode<synchronous>, transform_indices = @transform_1, window_bounds = array<i64: 128, 128>}, {pipeline_mode = #tpu.pipeline_mode<synchronous>, transform_indices = @transform_2, window_bounds = array<i64: 128, 1>}, {pipeline_mode = #tpu.pipeline_mode<synchronous>, transform_indices = @transform_3, window_bounds = array<i64: 128, 1>}, {pipeline_mode = #tpu.pipeline_mode<synchronous>, transform_indices = @transform_4, window_bounds = array<i64: 16, 128>}, {pipeline_mode = #tpu.pipeline_mode<synchronous>, transform_indices = @transform_5, window_bounds = array<i64: 128, 1>}, {pipeline_mode = #tpu.pipeline_mode<synchronous>, transform_indices = @transform_6, window_bounds = array<i64: 16, 128>}, {pipeline_mode = #tpu.pipeline_mode<synchronous>, transform_indices = @transform_7, window_bounds = array<i64: 128, 1>}, {transform_indices = @transform_8, window_bounds = array<i64: 2000, 128>}, {transform_indices = @transform_9, window_bounds = array<i64: 2000, 1>}, {transform_indices = @transform_10, window_bounds = array<i64: 2000, 1>}, {pipeline_mode = #tpu.pipeline_mode<synchronous>, transform_indices = @transform_11, window_bounds = array<i64: 16, 1>}, {pipeline_mode = #tpu.pipeline_mode<synchronous>, transform_indices = @transform_12, window_bounds = array<i64: 16, 1>}, {pipeline_mode = #tpu.pipeline_mode<synchronous>, transform_indices = @transform_13, window_bounds = array<i64: 1, 2>}]} {
    %get3A = arith.constant 0 : index
    %get3A_0 = arith.constant 0 : index
    %get3A_1 = vector.load %arg1[%get3A, %get3A_0] : memref<2000x128xf32, #tpu.memory_space<vmem>>, vector<2000x128xf32>
    %get3A_2 = arith.constant 0 : index
    %get3A_3 = arith.constant 0 : index
    %get3A_4 = vector.load %arg2[%get3A_2, %get3A_3] : memref<128x128xf32, #tpu.memory_space<vmem>>, vector<128x128xf32>
    %dot_general3A = arith.constant dense<0.000000e+00> : vector<2000x128xf32>
    %dot_general3A_5 = tpu.matmul %get3A_1, %get3A_4, %dot_general3A {dimension_numbers = #tpu.dot_dimension_numbers<[1], [0], [0], [1], [0, 0, 1, 1], [], []>, transpose_lhs_hint = false} : vector<2000x128xf32>, vector<128x128xf32>, vector<2000x128xf32> -> vector<2000x128xf32>
    %swap3A = arith.constant 0 : index
    %swap3A_6 = arith.constant 0 : index
    %swap3A_7 = vector.load %arg9[%swap3A, %swap3A_6] : memref<2000x128xf32, #tpu.memory_space<vmem>>, vector<2000x128xf32>
    tpu.vector_store %arg9[%swap3A, %swap3A_6], %dot_general3A_5 {strides = array<i32>} : memref<2000x128xf32, #tpu.memory_space<vmem>>, vector<2000x128xf32>,
    %get3A_8 = arith.constant 0 : index
    %get3A_9 = arith.constant 0 : index
    %get3A_10 = vector.load %arg3[%get3A_8, %get3A_9] : memref<128x1xf32, #tpu.memory_space<vmem>>, vector<128x1xf32>
    %dot_general3A_11 = arith.constant dense<0.000000e+00> : vector<2000x1xf32>
    %dot_general3A_12 = tpu.matmul %dot_general3A_5, %get3A_10, %dot_general3A_11 {dimension_numbers = #tpu.dot_dimension_numbers<[1], [0], [0], [1], [0, 0, 1, 1], [], []>, transpose_lhs_hint = false} : vector<2000x128xf32>, vector<128x1xf32>, vector<2000x1xf32> -> vector<2000x1xf32>
    %get3A_13 = arith.constant 0 : index
    %get3A_14 = arith.constant 0 : index
    %get3A_15 = vector.load %arg4[%get3A_13, %get3A_14] : memref<128x1xf32, #tpu.memory_space<vmem>>, vector<128x1xf32>
    %dot_general3A_16 = arith.constant dense<0.000000e+00> : vector<2000x1xf32>
    %dot_general3A_17 = tpu.matmul %dot_general3A_5, %get3A_15, %dot_general3A_16 {dimension_numbers = #tpu.dot_dimension_numbers<[1], [0], [0], [1], [0, 0, 1, 1], [], []>, transpose_lhs_hint = false} : vector<2000x128xf32>, vector<128x1xf32>, vector<2000x1xf32> -> vector<2000x1xf32>
    %swap3A_18 = arith.constant 0 : index
    %swap3A_19 = arith.constant 0 : index
    %swap3A_20 = vector.load %arg10[%swap3A_18, %swap3A_19] : memref<2000x1xf32, #tpu.memory_space<vmem>>, vector<2000x1xf32>
    tpu.vector_store %arg10[%swap3A_18, %swap3A_19], %dot_general3A_12 {strides = array<i32>} : memref<2000x1xf32, #tpu.memory_space<vmem>>, vector<2000x1xf32>,
    %swap3A_21 = arith.constant 0 : index
    %swap3A_22 = arith.constant 0 : index
    %swap3A_23 = vector.load %arg11[%swap3A_21, %swap3A_22] : memref<2000x1xf32, #tpu.memory_space<vmem>>, vector<2000x1xf32>
    tpu.vector_store %arg11[%swap3A_21, %swap3A_22], %dot_general3A_17 {strides = array<i32>} : memref<2000x1xf32, #tpu.memory_space<vmem>>, vector<2000x1xf32>,
    %eq3A = arith.constant 0 : i32
    %eq3A_24 = arith.cmpi eq, %arg0, %eq3A : i32
    %convert_element_type3A = arith.extui %eq3A_24 : i1 to i32
    %cond3A = arith.constant 0 : i32
    %cond3A_25 = arith.cmpi ne, %convert_element_type3A, %cond3A : i32
    scf.if %cond3A_25 {
      %get3A_42 = arith.constant 0 : index
      %get3A_43 = arith.constant 0 : index
      %get3A_44 = vector.load %arg5[%get3A_42, %get3A_43] : memref<16x128xf32, #tpu.memory_space<vmem>>, vector<16x128xf32>
      %get3A_45 = arith.constant 0 : index
      %get3A_46 = arith.constant 0 : index
      %get3A_47 = vector.load %arg6[%get3A_45, %get3A_46] : memref<128x1xf32, #tpu.memory_space<vmem>>, vector<128x1xf32>
      %dot_general3A_48 = arith.constant dense<0.000000e+00> : vector<16x1xf32>
      %dot_general3A_49 = tpu.matmul %get3A_44, %get3A_47, %dot_general3A_48 {dimension_numbers = #tpu.dot_dimension_numbers<[1], [0], [0], [1], [0, 0, 1, 1], [], []>, transpose_lhs_hint = false} : vector<16x128xf32>, vector<128x1xf32>, vector<16x1xf32> -> vector<16x1xf32>
      %swap3A_50 = arith.constant 0 : index
      %swap3A_51 = arith.constant 0 : index
      %swap3A_52 = vector.load %arg12[%swap3A_50, %swap3A_51] : memref<16x1xf32, #tpu.memory_space<vmem>>, vector<16x1xf32>
      tpu.vector_store %arg12[%swap3A_50, %swap3A_51], %dot_general3A_49 {strides = array<i32>} : memref<16x1xf32, #tpu.memory_space<vmem>>, vector<16x1xf32>,
      %get3A_53 = arith.constant 0 : index
      %get3A_54 = arith.constant 0 : index
      %get3A_55 = vector.load %arg7[%get3A_53, %get3A_54] : memref<16x128xf32, #tpu.memory_space<vmem>>, vector<16x128xf32>
      %get3A_56 = arith.constant 0 : index
      %get3A_57 = arith.constant 0 : index
      %get3A_58 = vector.load %arg8[%get3A_56, %get3A_57] : memref<128x1xf32, #tpu.memory_space<vmem>>, vector<128x1xf32>
      %dot_general3A_59 = arith.constant dense<0.000000e+00> : vector<16x1xf32>
      %dot_general3A_60 = tpu.matmul %get3A_55, %get3A_58, %dot_general3A_59 {dimension_numbers = #tpu.dot_dimension_numbers<[1], [0], [0], [1], [0, 0, 1, 1], [], []>, transpose_lhs_hint = false} : vector<16x128xf32>, vector<128x1xf32>, vector<16x1xf32> -> vector<16x1xf32>
      %swap3A_61 = arith.constant 0 : index
      %swap3A_62 = arith.constant 0 : index
      %swap3A_63 = vector.load %arg13[%swap3A_61, %swap3A_62] : memref<16x1xf32, #tpu.memory_space<vmem>>, vector<16x1xf32>
      tpu.vector_store %arg13[%swap3A_61, %swap3A_62], %dot_general3A_60 {strides = array<i32>} : memref<16x1xf32, #tpu.memory_space<vmem>>, vector<16x1xf32>,
      %broadcast_in_dim3A = arith.constant -3.000000e+38 : f32
      %broadcast_in_dim3A_64 = vector.broadcast %broadcast_in_dim3A : f32 to vector<1x2xf32>
      %swap3A_65 = arith.constant 0 : index
      %swap3A_66 = arith.constant 0 : index
      %swap3A_67 = vector.load %arg14[%swap3A_65, %swap3A_66] : memref<1x2xf32, #tpu.memory_space<vmem>>, vector<1x2xf32>
      tpu.vector_store %arg14[%swap3A_65, %swap3A_66], %broadcast_in_dim3A_64 {strides = array<i32>} : memref<1x2xf32, #tpu.memory_space<vmem>>, vector<1x2xf32>,
    } else {
    }
    %reduce_max3A = vector.shape_cast %dot_general3A_12 : vector<2000x1xf32> to vector<1x2000x1xf32>
    %reduce_max3A_26 = arith.constant dense<0xFF800000> : vector<1xf32>
    %reduce_max3A_27 = vector.multi_reduction <maximumf>, %reduce_max3A, %reduce_max3A_26 [1, 2] : vector<1x2000x1xf32> to vector<1xf32>
    %reduce_max3A_28 = vector.shape_cast %reduce_max3A_27 : vector<1xf32> to vector<1x1x1xf32>
    %reduce_max3A_29 = vector.extract %reduce_max3A_28[0, 0, 0] : f32 from vector<1x1x1xf32>
    %reshape3A = vector.broadcast %reduce_max3A_29 : f32 to vector<1x1xf32>
    %reduce_max3A_30 = vector.shape_cast %dot_general3A_17 : vector<2000x1xf32> to vector<1x2000x1xf32>
    %reduce_max3A_31 = arith.constant dense<0xFF800000> : vector<1xf32>
    %reduce_max3A_32 = vector.multi_reduction <maximumf>, %reduce_max3A_30, %reduce_max3A_31 [1, 2] : vector<1x2000x1xf32> to vector<1xf32>
    %reduce_max3A_33 = vector.shape_cast %reduce_max3A_32 : vector<1xf32> to vector<1x1x1xf32>
    %reduce_max3A_34 = vector.extract %reduce_max3A_33[0, 0, 0] : f32 from vector<1x1x1xf32>
    %reshape3A_35 = vector.broadcast %reduce_max3A_34 : f32 to vector<1x1xf32>
    %concatenate3A = tpu.concatenate %reshape3A, %reshape3A_35 in 1 : vector<1x1xf32>, vector<1x1xf32> -> vector<1x2xf32>
    %get3A_36 = arith.constant 0 : index
    %get3A_37 = arith.constant 0 : index
    %get3A_38 = vector.load %arg14[%get3A_36, %get3A_37] : memref<1x2xf32, #tpu.memory_space<vmem>>, vector<1x2xf32>
    %max3A = arith.maximumf %get3A_38, %concatenate3A : vector<1x2xf32>
    %swap3A_39 = arith.constant 0 : index
    %swap3A_40 = arith.constant 0 : index
    %swap3A_41 = vector.load %arg14[%swap3A_39, %swap3A_40] : memref<1x2xf32, #tpu.memory_space<vmem>>, vector<1x2xf32>
    tpu.vector_store %arg14[%swap3A_39, %swap3A_40], %max3A {strides = array<i32>} : memref<1x2xf32, #tpu.memory_space<vmem>>, vector<1x2xf32>,
    return
  }
  func.func @transform_0(%arg0: i32) -> (i32, i32) {
    %c0_i32 = arith.constant 0 : i32
    %c0_i32_0 = arith.constant 0 : i32
    return %arg0, %c0_i32 : i32, i32
  }
  func.func @transform_1(%arg0: i32) -> (i32, i32) {
    %c0_i32 = arith.constant 0 : i32
    %c0_i32_0 = arith.constant 0 : i32
    %c0_i32_1 = arith.constant 0 : i32
    return %c0_i32, %c0_i32_0 : i32, i32
  }
  func.func @transform_2(%arg0: i32) -> (i32, i32) {
    %c0_i32 = arith.constant 0 : i32
    %c0_i32_0 = arith.constant 0 : i32
    %c0_i32_1 = arith.constant 0 : i32
    return %c0_i32, %c0_i32_0 : i32, i32
  }
  func.func @transform_3(%arg0: i32) -> (i32, i32) {
    %c0_i32 = arith.constant 0 : i32
    %c0_i32_0 = arith.constant 0 : i32
    %c0_i32_1 = arith.constant 0 : i32
    return %c0_i32, %c0_i32_0 : i32, i32
  }
  func.func @transform_4(%arg0: i32) -> (i32, i32) {
    %c0_i32 = arith.constant 0 : i32
    %c0_i32_0 = arith.constant 0 : i32
    %c0_i32_1 = arith.constant 0 : i32
    return %c0_i32, %c0_i32_0 : i32, i32
  }
  func.func @transform_5(%arg0: i32) -> (i32, i32) {
    %c0_i32 = arith.constant 0 : i32
    %c0_i32_0 = arith.constant 0 : i32
    %c0_i32_1 = arith.constant 0 : i32
    return %c0_i32, %c0_i32_0 : i32, i32
  }
  func.func @transform_6(%arg0: i32) -> (i32, i32) {
    %c0_i32 = arith.constant 0 : i32
    %c0_i32_0 = arith.constant 0 : i32
    %c0_i32_1 = arith.constant 0 : i32
    return %c0_i32, %c0_i32_0 : i32, i32
  }
  func.func @transform_7(%arg0: i32) -> (i32, i32) {
    %c0_i32 = arith.constant 0 : i32
    %c0_i32_0 = arith.constant 0 : i32
    %c0_i32_1 = arith.constant 0 : i32
    return %c0_i32, %c0_i32_0 : i32, i32
  }
  func.func @transform_8(%arg0: i32) -> (i32, i32) {
    %c0_i32 = arith.constant 0 : i32
    %c0_i32_0 = arith.constant 0 : i32
    return %arg0, %c0_i32 : i32, i32
  }
  func.func @transform_9(%arg0: i32) -> (i32, i32) {
    %c0_i32 = arith.constant 0 : i32
    %c0_i32_0 = arith.constant 0 : i32
    return %arg0, %c0_i32 : i32, i32
  }
  func.func @transform_10(%arg0: i32) -> (i32, i32) {
    %c0_i32 = arith.constant 0 : i32
    %c0_i32_0 = arith.constant 0 : i32
    return %arg0, %c0_i32 : i32, i32
  }
  func.func @transform_11(%arg0: i32) -> (i32, i32) {
    %c0_i32 = arith.constant 0 : i32
    %c0_i32_0 = arith.constant 0 : i32
    %c0_i32_1 = arith.constant 0 : i32
    return %c0_i32, %c0_i32_0 : i32, i32
  }
  func.func @transform_12(%arg0: i32) -> (i32, i32) {
    %c0_i32 = arith.constant 0 : i32
    %c0_i32_0 = arith.constant 0 : i32
    %c0_i32_1 = arith.constant 0 : i32
    return %c0_i32, %c0_i32_0 : i32, i32
  }
  func.func @transform_13(%arg0: i32) -> (i32, i32) {
    %c0_i32 = arith.constant 0 : i32
    %c0_i32_0 = arith.constant 0 : i32
    %c0_i32_1 = arith.constant 0 : i32
    return %c0_i32, %c0_i32_0 : i32, i32
  }
}

module attributes {stable_mosaic.version = 14 : i64} {
  func.func @_tc_edges_body(%arg0: i32, %arg1: memref<8000x128xf32, #tpu.memory_space<vmem>>, %arg2: memref<1x16xf32, #tpu.memory_space<vmem>>, %arg3: memref<1x16xf32, #tpu.memory_space<vmem>>, %arg4: memref<8000x16xf32, #tpu.memory_space<vmem>>, %arg5: memref<1x2xf32, #tpu.memory_space<vmem>>) attributes {dimension_semantics = [#tpu.dimension_semantics<arbitrary>], iteration_bounds = array<i64: 5>, scalar_prefetch = 0 : i64, scratch_operands = 0 : i64, tpu.core_type = #tpu.core_type<tc>, window_params = [{transform_indices = @transform_0, window_bounds = array<i64: 8000, 128>}, {pipeline_mode = #tpu.pipeline_mode<synchronous>, transform_indices = @transform_1, window_bounds = array<i64: 1, 16>}, {pipeline_mode = #tpu.pipeline_mode<synchronous>, transform_indices = @transform_2, window_bounds = array<i64: 1, 16>}, {transform_indices = @transform_3, window_bounds = array<i64: 8000, 16>}, {pipeline_mode = #tpu.pipeline_mode<synchronous>, transform_indices = @transform_4, window_bounds = array<i64: 1, 2>}]} {
    %iota3A = tpu.iota {dimensions = array<i32: 0>} : vector<8x16x16xi32>
    %iota3A_0 = tpu.iota {dimensions = array<i32: 2>} : vector<8x16x16xi32>
    %jit3A = arith.constant 8 : i32
    %eq3A = arith.constant 0 : i32
    %eq3A_1 = arith.cmpi eq, %jit3A, %eq3A : i32
    %jit3A_2 = arith.constant 1 : i32
    %select_n3A = arith.select %eq3A_1, %jit3A_2, %jit3A : i32
    %rem3A = vector.broadcast %select_n3A : i32 to vector<8x16x16xi32>
    %rem3A_3 = arith.remsi %iota3A_0, %rem3A : vector<8x16x16xi32>
    %ne3A = arith.constant 0 : i32
    %ne3A_4 = vector.broadcast %ne3A : i32 to vector<8x16x16xi32>
    %ne3A_5 = arith.cmpi ne, %rem3A_3, %ne3A_4 : vector<8x16x16xi32>
    %lt3A = arith.constant 0 : i32
    %lt3A_6 = vector.broadcast %lt3A : i32 to vector<8x16x16xi32>
    %lt3A_7 = arith.cmpi slt, %rem3A_3, %lt3A_6 : vector<8x16x16xi32>
    %lt3A_8 = arith.constant 0 : i32
    %lt3A_9 = arith.cmpi slt, %select_n3A, %lt3A_8 : i32
    %ne3A_10 = vector.broadcast %lt3A_9 : i1 to vector<8x16x16xi1>
    %ne3A_11 = vector.broadcast %ne3A_10 : vector<8x16x16xi1> to vector<8x16x16xi1>
    %ne3A_12 = arith.xori %lt3A_7, %ne3A_11 : vector<8x16x16xi1>
    %and3A = arith.andi %ne3A_12, %ne3A_5 : vector<8x16x16xi1>
    %add3A = vector.broadcast %select_n3A : i32 to vector<8x16x16xi32>
    %add3A_13 = arith.addi %rem3A_3, %add3A : vector<8x16x16xi32>
    %select_n3A_14 = arith.select %and3A, %add3A_13, %rem3A_3 : vector<8x16x16xi1>, vector<8x16x16xi32>
    %eq3A_15 = arith.cmpi eq, %iota3A, %select_n3A_14 : vector<8x16x16xi32>
    %get3A = arith.constant 0 : index
    %get3A_16 = arith.constant 0 : index
    %get3A_17 = vector.load %arg2[%get3A, %get3A_16] : memref<1x16xf32, #tpu.memory_space<vmem>>, vector<1x16xf32>
    %reshape3A = vector.shape_cast %get3A_17 : vector<1x16xf32> to vector<1x16x1xf32>
    %get3A_18 = arith.constant 0 : index
    %get3A_19 = arith.constant 0 : index
    %get3A_20 = vector.load %arg3[%get3A_18, %get3A_19] : memref<1x16xf32, #tpu.memory_space<vmem>>, vector<1x16xf32>
    %reshape3A_21 = vector.shape_cast %get3A_20 : vector<1x16xf32> to vector<1x16x1xf32>
    %lt3A_22 = arith.constant 8 : i32
    %lt3A_23 = vector.broadcast %lt3A_22 : i32 to vector<8x16x16xi32>
    %lt3A_24 = arith.cmpi slt, %iota3A_0, %lt3A_23 : vector<8x16x16xi32>
    %broadcast_in_dim3A = vector.shape_cast %reshape3A : vector<1x16x1xf32> to vector<1x16x1xf32>
    %broadcast_in_dim3A_25 = vector.broadcast %broadcast_in_dim3A : vector<1x16x1xf32> to vector<8x16x16xf32>
    %broadcast_in_dim3A_26 = vector.shape_cast %reshape3A_21 : vector<1x16x1xf32> to vector<1x16x1xf32>
    %broadcast_in_dim3A_27 = vector.broadcast %broadcast_in_dim3A_26 : vector<1x16x1xf32> to vector<8x16x16xf32>
    %select_n3A_28 = arith.select %lt3A_24, %broadcast_in_dim3A_25, %broadcast_in_dim3A_27 : vector<8x16x16xi1>, vector<8x16x16xf32>
    %jit3A_29 = arith.constant 0.000000e+00 : f32
    %broadcast_in_dim3A_30 = vector.broadcast %jit3A_29 : f32 to vector<8x16x16xf32>
    %select_n3A_31 = arith.select %eq3A_15, %select_n3A_28, %broadcast_in_dim3A_30 : vector<8x16x16xi1>, vector<8x16x16xf32>
    %reshape3A_32 = vector.shape_cast %select_n3A_31 : vector<8x16x16xf32> to vector<128x16xf32>
    %get3A_33 = arith.constant 0 : index
    %get3A_34 = arith.constant 0 : index
    %get3A_35 = vector.load %arg1[%get3A_33, %get3A_34] : memref<8000x128xf32, #tpu.memory_space<vmem>>, vector<8000x128xf32>
    %dot_general3A = arith.constant dense<0.000000e+00> : vector<8000x16xf32>
    %dot_general3A_36 = tpu.matmul %get3A_35, %reshape3A_32, %dot_general3A {dimension_numbers = #tpu.dot_dimension_numbers<[1], [0], [0], [1], [0, 0, 1, 1], [], []>, transpose_lhs_hint = false} : vector<8000x128xf32>, vector<128x16xf32>, vector<8000x16xf32> -> vector<8000x16xf32>
    %swap3A = arith.constant 0 : index
    %swap3A_37 = arith.constant 0 : index
    %swap3A_38 = vector.load %arg4[%swap3A, %swap3A_37] : memref<8000x16xf32, #tpu.memory_space<vmem>>, vector<8000x16xf32>
    tpu.vector_store %arg4[%swap3A, %swap3A_37], %dot_general3A_36 {strides = array<i32>} : memref<8000x16xf32, #tpu.memory_space<vmem>>, vector<8000x16xf32>,
    %eq3A_39 = arith.constant 0 : i32
    %eq3A_40 = arith.cmpi eq, %arg0, %eq3A_39 : i32
    %convert_element_type3A = arith.extui %eq3A_40 : i1 to i32
    %cond3A = arith.constant 0 : i32
    %cond3A_41 = arith.cmpi ne, %convert_element_type3A, %cond3A : i32
    scf.if %cond3A_41 {
      %broadcast_in_dim3A_60 = arith.constant -3.000000e+38 : f32
      %broadcast_in_dim3A_61 = vector.broadcast %broadcast_in_dim3A_60 : f32 to vector<1x2xf32>
      %swap3A_62 = arith.constant 0 : index
      %swap3A_63 = arith.constant 0 : index
      %swap3A_64 = vector.load %arg5[%swap3A_62, %swap3A_63] : memref<1x2xf32, #tpu.memory_space<vmem>>, vector<1x2xf32>
      tpu.vector_store %arg5[%swap3A_62, %swap3A_63], %broadcast_in_dim3A_61 {strides = array<i32>} : memref<1x2xf32, #tpu.memory_space<vmem>>, vector<1x2xf32>,
    } else {
    }
    %slice3A = vector.extract_strided_slice %dot_general3A_36 {offsets = [0, 0], sizes = [8000, 8], strides = [1, 1]} : vector<8000x16xf32> to vector<8000x8xf32>
    %reduce_max3A = vector.shape_cast %slice3A : vector<8000x8xf32> to vector<1x8000x8xf32>
    %reduce_max3A_42 = arith.constant dense<0xFF800000> : vector<1xf32>
    %reduce_max3A_43 = vector.multi_reduction <maximumf>, %reduce_max3A, %reduce_max3A_42 [1, 2] : vector<1x8000x8xf32> to vector<1xf32>
    %reduce_max3A_44 = vector.shape_cast %reduce_max3A_43 : vector<1xf32> to vector<1x1x1xf32>
    %reduce_max3A_45 = vector.extract %reduce_max3A_44[0, 0, 0] : f32 from vector<1x1x1xf32>
    %reshape3A_46 = vector.broadcast %reduce_max3A_45 : f32 to vector<1x1xf32>
    %slice3A_47 = vector.extract_strided_slice %dot_general3A_36 {offsets = [0, 8], sizes = [8000, 8], strides = [1, 1]} : vector<8000x16xf32> to vector<8000x8xf32>
    %reduce_max3A_48 = vector.shape_cast %slice3A_47 : vector<8000x8xf32> to vector<1x8000x8xf32>
    %reduce_max3A_49 = arith.constant dense<0xFF800000> : vector<1xf32>
    %reduce_max3A_50 = vector.multi_reduction <maximumf>, %reduce_max3A_48, %reduce_max3A_49 [1, 2] : vector<1x8000x8xf32> to vector<1xf32>
    %reduce_max3A_51 = vector.shape_cast %reduce_max3A_50 : vector<1xf32> to vector<1x1x1xf32>
    %reduce_max3A_52 = vector.extract %reduce_max3A_51[0, 0, 0] : f32 from vector<1x1x1xf32>
    %reshape3A_53 = vector.broadcast %reduce_max3A_52 : f32 to vector<1x1xf32>
    %concatenate3A = tpu.concatenate %reshape3A_46, %reshape3A_53 in 1 : vector<1x1xf32>, vector<1x1xf32> -> vector<1x2xf32>
    %get3A_54 = arith.constant 0 : index
    %get3A_55 = arith.constant 0 : index
    %get3A_56 = vector.load %arg5[%get3A_54, %get3A_55] : memref<1x2xf32, #tpu.memory_space<vmem>>, vector<1x2xf32>
    %max3A = arith.maximumf %get3A_56, %concatenate3A : vector<1x2xf32>
    %swap3A_57 = arith.constant 0 : index
    %swap3A_58 = arith.constant 0 : index
    %swap3A_59 = vector.load %arg5[%swap3A_57, %swap3A_58] : memref<1x2xf32, #tpu.memory_space<vmem>>, vector<1x2xf32>
    tpu.vector_store %arg5[%swap3A_57, %swap3A_58], %max3A {strides = array<i32>} : memref<1x2xf32, #tpu.memory_space<vmem>>, vector<1x2xf32>,
    return
  }
  func.func @transform_0(%arg0: i32) -> (i32, i32) {
    %c0_i32 = arith.constant 0 : i32
    %c0_i32_0 = arith.constant 0 : i32
    return %arg0, %c0_i32 : i32, i32
  }
  func.func @transform_1(%arg0: i32) -> (i32, i32) {
    %c0_i32 = arith.constant 0 : i32
    %c0_i32_0 = arith.constant 0 : i32
    %c0_i32_1 = arith.constant 0 : i32
    return %c0_i32, %c0_i32_0 : i32, i32
  }
  func.func @transform_2(%arg0: i32) -> (i32, i32) {
    %c0_i32 = arith.constant 0 : i32
    %c0_i32_0 = arith.constant 0 : i32
    %c0_i32_1 = arith.constant 0 : i32
    return %c0_i32, %c0_i32_0 : i32, i32
  }
  func.func @transform_3(%arg0: i32) -> (i32, i32) {
    %c0_i32 = arith.constant 0 : i32
    %c0_i32_0 = arith.constant 0 : i32
    return %arg0, %c0_i32 : i32, i32
  }
  func.func @transform_4(%arg0: i32) -> (i32, i32) {
    %c0_i32 = arith.constant 0 : i32
    %c0_i32_0 = arith.constant 0 : i32
    %c0_i32_1 = arith.constant 0 : i32
    return %c0_i32, %c0_i32_0 : i32, i32
  }
}

module attributes {stable_mosaic.version = 14 : i64} {
  func.func @_tc_mid_body(%arg0: i32, %arg1: memref<2x2000x128xf32, #tpu.memory_space<vmem>>, %arg2: memref<2x2000x1xf32, #tpu.memory_space<vmem>>, %arg3: memref<1x128xf32, #tpu.memory_space<vmem>>, %arg4: memref<128x128xf32, #tpu.memory_space<vmem>>, %arg5: memref<128x1xf32, #tpu.memory_space<vmem>>, %arg6: memref<128x1xf32, #tpu.memory_space<vmem>>, %arg7: memref<2000x128xf32, #tpu.memory_space<vmem>>, %arg8: memref<2000x1xf32, #tpu.memory_space<vmem>>, %arg9: memref<2000x1xf32, #tpu.memory_space<vmem>>, %arg10: memref<1x2xf32, #tpu.memory_space<vmem>>) attributes {dimension_semantics = [#tpu.dimension_semantics<arbitrary>], iteration_bounds = array<i64: 5>, scalar_prefetch = 0 : i64, scratch_operands = 0 : i64, tpu.core_type = #tpu.core_type<tc>, window_params = [{transform_indices = @transform_0, window_bounds = array<i64: 2, 2000, 128>}, {transform_indices = @transform_1, window_bounds = array<i64: 2, 2000, 1>}, {pipeline_mode = #tpu.pipeline_mode<synchronous>, transform_indices = @transform_2, window_bounds = array<i64: 1, 128>}, {pipeline_mode = #tpu.pipeline_mode<synchronous>, transform_indices = @transform_3, window_bounds = array<i64: 128, 128>}, {pipeline_mode = #tpu.pipeline_mode<synchronous>, transform_indices = @transform_4, window_bounds = array<i64: 128, 1>}, {pipeline_mode = #tpu.pipeline_mode<synchronous>, transform_indices = @transform_5, window_bounds = array<i64: 128, 1>}, {transform_indices = @transform_6, window_bounds = array<i64: 2000, 128>}, {transform_indices = @transform_7, window_bounds = array<i64: 2000, 1>}, {transform_indices = @transform_8, window_bounds = array<i64: 2000, 1>}, {pipeline_mode = #tpu.pipeline_mode<synchronous>, transform_indices = @transform_9, window_bounds = array<i64: 1, 2>}]} {
    %get3A = arith.constant 0 : index
    %get3A_0 = arith.constant 0 : index
    %get3A_1 = arith.constant 0 : index
    %get3A_2 = vector.load %arg1[%get3A, %get3A_0, %get3A_1] : memref<2x2000x128xf32, #tpu.memory_space<vmem>>, vector<1x2000x128xf32>
    %get3A_3 = vector.shape_cast %get3A_2 : vector<1x2000x128xf32> to vector<2000x128xf32>
    %get3A_4 = arith.constant 1 : index
    %get3A_5 = arith.constant 0 : index
    %get3A_6 = arith.constant 0 : index
    %get3A_7 = vector.load %arg1[%get3A_4, %get3A_5, %get3A_6] : memref<2x2000x128xf32, #tpu.memory_space<vmem>>, vector<1x2000x128xf32>
    %get3A_8 = vector.shape_cast %get3A_7 : vector<1x2000x128xf32> to vector<2000x128xf32>
    %add3A = arith.addf %get3A_3, %get3A_8 : vector<2000x128xf32>
    %get3A_9 = arith.constant 0 : index
    %get3A_10 = arith.constant 0 : index
    %get3A_11 = arith.constant 0 : index
    %get3A_12 = vector.load %arg2[%get3A_9, %get3A_10, %get3A_11] : memref<2x2000x1xf32, #tpu.memory_space<vmem>>, vector<1x2000x1xf32>
    %get3A_13 = vector.shape_cast %get3A_12 : vector<1x2000x1xf32> to vector<2000x1xf32>
    %get3A_14 = arith.constant 1 : index
    %get3A_15 = arith.constant 0 : index
    %get3A_16 = arith.constant 0 : index
    %get3A_17 = vector.load %arg2[%get3A_14, %get3A_15, %get3A_16] : memref<2x2000x1xf32, #tpu.memory_space<vmem>>, vector<1x2000x1xf32>
    %get3A_18 = vector.shape_cast %get3A_17 : vector<1x2000x1xf32> to vector<2000x1xf32>
    %add3A_19 = arith.addf %get3A_13, %get3A_18 : vector<2000x1xf32>
    %add3A_20 = arith.constant 1.000000e-16 : f32
    %add3A_21 = vector.broadcast %add3A_20 : f32 to vector<2000x1xf32>
    %add3A_22 = arith.addf %add3A_19, %add3A_21 : vector<2000x1xf32>
    %div3A = vector.broadcast %add3A_22 : vector<2000x1xf32> to vector<2000x128xf32>
    %div3A_23 = arith.divf %add3A, %div3A : vector<2000x128xf32>
    %get3A_24 = arith.constant 0 : index
    %get3A_25 = arith.constant 0 : index
    %get3A_26 = vector.load %arg3[%get3A_24, %get3A_25] : memref<1x128xf32, #tpu.memory_space<vmem>>, vector<1x128xf32>
    %add3A_27 = vector.broadcast %get3A_26 : vector<1x128xf32> to vector<2000x128xf32>
    %add3A_28 = arith.addf %div3A_23, %add3A_27 : vector<2000x128xf32>
    %max3A = arith.constant 0.000000e+00 : f32
    %max3A_29 = vector.broadcast %max3A : f32 to vector<2000x128xf32>
    %max3A_30 = arith.maximumf %add3A_28, %max3A_29 : vector<2000x128xf32>
    %get3A_31 = arith.constant 0 : index
    %get3A_32 = arith.constant 0 : index
    %get3A_33 = vector.load %arg4[%get3A_31, %get3A_32] : memref<128x128xf32, #tpu.memory_space<vmem>>, vector<128x128xf32>
    %dot_general3A = arith.constant dense<0.000000e+00> : vector<2000x128xf32>
    %dot_general3A_34 = tpu.matmul %max3A_30, %get3A_33, %dot_general3A {dimension_numbers = #tpu.dot_dimension_numbers<[1], [0], [0], [1], [0, 0, 1, 1], [], []>, transpose_lhs_hint = false} : vector<2000x128xf32>, vector<128x128xf32>, vector<2000x128xf32> -> vector<2000x128xf32>
    %swap3A = arith.constant 0 : index
    %swap3A_35 = arith.constant 0 : index
    %swap3A_36 = vector.load %arg7[%swap3A, %swap3A_35] : memref<2000x128xf32, #tpu.memory_space<vmem>>, vector<2000x128xf32>
    tpu.vector_store %arg7[%swap3A, %swap3A_35], %dot_general3A_34 {strides = array<i32>} : memref<2000x128xf32, #tpu.memory_space<vmem>>, vector<2000x128xf32>,
    %get3A_37 = arith.constant 0 : index
    %get3A_38 = arith.constant 0 : index
    %get3A_39 = vector.load %arg5[%get3A_37, %get3A_38] : memref<128x1xf32, #tpu.memory_space<vmem>>, vector<128x1xf32>
    %dot_general3A_40 = arith.constant dense<0.000000e+00> : vector<2000x1xf32>
    %dot_general3A_41 = tpu.matmul %dot_general3A_34, %get3A_39, %dot_general3A_40 {dimension_numbers = #tpu.dot_dimension_numbers<[1], [0], [0], [1], [0, 0, 1, 1], [], []>, transpose_lhs_hint = false} : vector<2000x128xf32>, vector<128x1xf32>, vector<2000x1xf32> -> vector<2000x1xf32>
    %get3A_42 = arith.constant 0 : index
    %get3A_43 = arith.constant 0 : index
    %get3A_44 = vector.load %arg6[%get3A_42, %get3A_43] : memref<128x1xf32, #tpu.memory_space<vmem>>, vector<128x1xf32>
    %dot_general3A_45 = arith.constant dense<0.000000e+00> : vector<2000x1xf32>
    %dot_general3A_46 = tpu.matmul %dot_general3A_34, %get3A_44, %dot_general3A_45 {dimension_numbers = #tpu.dot_dimension_numbers<[1], [0], [0], [1], [0, 0, 1, 1], [], []>, transpose_lhs_hint = false} : vector<2000x128xf32>, vector<128x1xf32>, vector<2000x1xf32> -> vector<2000x1xf32>
    %swap3A_47 = arith.constant 0 : index
    %swap3A_48 = arith.constant 0 : index
    %swap3A_49 = vector.load %arg8[%swap3A_47, %swap3A_48] : memref<2000x1xf32, #tpu.memory_space<vmem>>, vector<2000x1xf32>
    tpu.vector_store %arg8[%swap3A_47, %swap3A_48], %dot_general3A_41 {strides = array<i32>} : memref<2000x1xf32, #tpu.memory_space<vmem>>, vector<2000x1xf32>,
    %swap3A_50 = arith.constant 0 : index
    %swap3A_51 = arith.constant 0 : index
    %swap3A_52 = vector.load %arg9[%swap3A_50, %swap3A_51] : memref<2000x1xf32, #tpu.memory_space<vmem>>, vector<2000x1xf32>
    tpu.vector_store %arg9[%swap3A_50, %swap3A_51], %dot_general3A_46 {strides = array<i32>} : memref<2000x1xf32, #tpu.memory_space<vmem>>, vector<2000x1xf32>,
    %eq3A = arith.constant 0 : i32
    %eq3A_53 = arith.cmpi eq, %arg0, %eq3A : i32
    %convert_element_type3A = arith.extui %eq3A_53 : i1 to i32
    %cond3A = arith.constant 0 : i32
    %cond3A_54 = arith.cmpi ne, %convert_element_type3A, %cond3A : i32
    scf.if %cond3A_54 {
      %broadcast_in_dim3A = arith.constant -3.000000e+38 : f32
      %broadcast_in_dim3A_72 = vector.broadcast %broadcast_in_dim3A : f32 to vector<1x2xf32>
      %swap3A_73 = arith.constant 0 : index
      %swap3A_74 = arith.constant 0 : index
      %swap3A_75 = vector.load %arg10[%swap3A_73, %swap3A_74] : memref<1x2xf32, #tpu.memory_space<vmem>>, vector<1x2xf32>
      tpu.vector_store %arg10[%swap3A_73, %swap3A_74], %broadcast_in_dim3A_72 {strides = array<i32>} : memref<1x2xf32, #tpu.memory_space<vmem>>, vector<1x2xf32>,
    } else {
    }
    %reduce_max3A = vector.shape_cast %dot_general3A_41 : vector<2000x1xf32> to vector<1x2000x1xf32>
    %reduce_max3A_55 = arith.constant dense<0xFF800000> : vector<1xf32>
    %reduce_max3A_56 = vector.multi_reduction <maximumf>, %reduce_max3A, %reduce_max3A_55 [1, 2] : vector<1x2000x1xf32> to vector<1xf32>
    %reduce_max3A_57 = vector.shape_cast %reduce_max3A_56 : vector<1xf32> to vector<1x1x1xf32>
    %reduce_max3A_58 = vector.extract %reduce_max3A_57[0, 0, 0] : f32 from vector<1x1x1xf32>
    %reshape3A = vector.broadcast %reduce_max3A_58 : f32 to vector<1x1xf32>
    %reduce_max3A_59 = vector.shape_cast %dot_general3A_46 : vector<2000x1xf32> to vector<1x2000x1xf32>
    %reduce_max3A_60 = arith.constant dense<0xFF800000> : vector<1xf32>
    %reduce_max3A_61 = vector.multi_reduction <maximumf>, %reduce_max3A_59, %reduce_max3A_60 [1, 2] : vector<1x2000x1xf32> to vector<1xf32>
    %reduce_max3A_62 = vector.shape_cast %reduce_max3A_61 : vector<1xf32> to vector<1x1x1xf32>
    %reduce_max3A_63 = vector.extract %reduce_max3A_62[0, 0, 0] : f32 from vector<1x1x1xf32>
    %reshape3A_64 = vector.broadcast %reduce_max3A_63 : f32 to vector<1x1xf32>
    %concatenate3A = tpu.concatenate %reshape3A, %reshape3A_64 in 1 : vector<1x1xf32>, vector<1x1xf32> -> vector<1x2xf32>
    %get3A_65 = arith.constant 0 : index
    %get3A_66 = arith.constant 0 : index
    %get3A_67 = vector.load %arg10[%get3A_65, %get3A_66] : memref<1x2xf32, #tpu.memory_space<vmem>>, vector<1x2xf32>
    %max3A_68 = arith.maximumf %get3A_67, %concatenate3A : vector<1x2xf32>
    %swap3A_69 = arith.constant 0 : index
    %swap3A_70 = arith.constant 0 : index
    %swap3A_71 = vector.load %arg10[%swap3A_69, %swap3A_70] : memref<1x2xf32, #tpu.memory_space<vmem>>, vector<1x2xf32>
    tpu.vector_store %arg10[%swap3A_69, %swap3A_70], %max3A_68 {strides = array<i32>} : memref<1x2xf32, #tpu.memory_space<vmem>>, vector<1x2xf32>,
    return
  }
  func.func @transform_0(%arg0: i32) -> (i32, i32, i32) {
    %c0_i32 = arith.constant 0 : i32
    %c0_i32_0 = arith.constant 0 : i32
    %c0_i32_1 = arith.constant 0 : i32
    return %c0_i32, %arg0, %c0_i32_0 : i32, i32, i32
  }
  func.func @transform_1(%arg0: i32) -> (i32, i32, i32) {
    %c0_i32 = arith.constant 0 : i32
    %c0_i32_0 = arith.constant 0 : i32
    %c0_i32_1 = arith.constant 0 : i32
    return %c0_i32, %arg0, %c0_i32_0 : i32, i32, i32
  }
  func.func @transform_2(%arg0: i32) -> (i32, i32) {
    %c0_i32 = arith.constant 0 : i32
    %c0_i32_0 = arith.constant 0 : i32
    %c0_i32_1 = arith.constant 0 : i32
    return %c0_i32, %c0_i32_0 : i32, i32
  }
  func.func @transform_3(%arg0: i32) -> (i32, i32) {
    %c0_i32 = arith.constant 0 : i32
    %c0_i32_0 = arith.constant 0 : i32
    %c0_i32_1 = arith.constant 0 : i32
    return %c0_i32, %c0_i32_0 : i32, i32
  }
  func.func @transform_4(%arg0: i32) -> (i32, i32) {
    %c0_i32 = arith.constant 0 : i32
    %c0_i32_0 = arith.constant 0 : i32
    %c0_i32_1 = arith.constant 0 : i32
    return %c0_i32, %c0_i32_0 : i32, i32
  }
  func.func @transform_5(%arg0: i32) -> (i32, i32) {
    %c0_i32 = arith.constant 0 : i32
    %c0_i32_0 = arith.constant 0 : i32
    %c0_i32_1 = arith.constant 0 : i32
    return %c0_i32, %c0_i32_0 : i32, i32
  }
  func.func @transform_6(%arg0: i32) -> (i32, i32) {
    %c0_i32 = arith.constant 0 : i32
    %c0_i32_0 = arith.constant 0 : i32
    return %arg0, %c0_i32 : i32, i32
  }
  func.func @transform_7(%arg0: i32) -> (i32, i32) {
    %c0_i32 = arith.constant 0 : i32
    %c0_i32_0 = arith.constant 0 : i32
    return %arg0, %c0_i32 : i32, i32
  }
  func.func @transform_8(%arg0: i32) -> (i32, i32) {
    %c0_i32 = arith.constant 0 : i32
    %c0_i32_0 = arith.constant 0 : i32
    return %arg0, %c0_i32 : i32, i32
  }
  func.func @transform_9(%arg0: i32) -> (i32, i32) {
    %c0_i32 = arith.constant 0 : i32
    %c0_i32_0 = arith.constant 0 : i32
    %c0_i32_1 = arith.constant 0 : i32
    return %c0_i32, %c0_i32_0 : i32, i32
  }
}

module attributes {stable_mosaic.version = 14 : i64} {
  func.func @_tc_final_body(%arg0: i32, %arg1: memref<2x2000x128xf32, #tpu.memory_space<vmem>>, %arg2: memref<2x2000x1xf32, #tpu.memory_space<vmem>>, %arg3: memref<1x128xf32, #tpu.memory_space<vmem>>, %arg4: memref<2000x128xf32, #tpu.memory_space<vmem>>) attributes {dimension_semantics = [#tpu.dimension_semantics<arbitrary>], iteration_bounds = array<i64: 5>, scalar_prefetch = 0 : i64, scratch_operands = 0 : i64, tpu.core_type = #tpu.core_type<tc>, window_params = [{transform_indices = @transform_0, window_bounds = array<i64: 2, 2000, 128>}, {transform_indices = @transform_1, window_bounds = array<i64: 2, 2000, 1>}, {pipeline_mode = #tpu.pipeline_mode<synchronous>, transform_indices = @transform_2, window_bounds = array<i64: 1, 128>}, {transform_indices = @transform_3, window_bounds = array<i64: 2000, 128>}]} {
    %get3A = arith.constant 0 : index
    %get3A_0 = arith.constant 0 : index
    %get3A_1 = arith.constant 0 : index
    %get3A_2 = vector.load %arg1[%get3A, %get3A_0, %get3A_1] : memref<2x2000x128xf32, #tpu.memory_space<vmem>>, vector<1x2000x128xf32>
    %get3A_3 = vector.shape_cast %get3A_2 : vector<1x2000x128xf32> to vector<2000x128xf32>
    %get3A_4 = arith.constant 1 : index
    %get3A_5 = arith.constant 0 : index
    %get3A_6 = arith.constant 0 : index
    %get3A_7 = vector.load %arg1[%get3A_4, %get3A_5, %get3A_6] : memref<2x2000x128xf32, #tpu.memory_space<vmem>>, vector<1x2000x128xf32>
    %get3A_8 = vector.shape_cast %get3A_7 : vector<1x2000x128xf32> to vector<2000x128xf32>
    %add3A = arith.addf %get3A_3, %get3A_8 : vector<2000x128xf32>
    %get3A_9 = arith.constant 0 : index
    %get3A_10 = arith.constant 0 : index
    %get3A_11 = arith.constant 0 : index
    %get3A_12 = vector.load %arg2[%get3A_9, %get3A_10, %get3A_11] : memref<2x2000x1xf32, #tpu.memory_space<vmem>>, vector<1x2000x1xf32>
    %get3A_13 = vector.shape_cast %get3A_12 : vector<1x2000x1xf32> to vector<2000x1xf32>
    %get3A_14 = arith.constant 1 : index
    %get3A_15 = arith.constant 0 : index
    %get3A_16 = arith.constant 0 : index
    %get3A_17 = vector.load %arg2[%get3A_14, %get3A_15, %get3A_16] : memref<2x2000x1xf32, #tpu.memory_space<vmem>>, vector<1x2000x1xf32>
    %get3A_18 = vector.shape_cast %get3A_17 : vector<1x2000x1xf32> to vector<2000x1xf32>
    %add3A_19 = arith.addf %get3A_13, %get3A_18 : vector<2000x1xf32>
    %add3A_20 = arith.constant 1.000000e-16 : f32
    %add3A_21 = vector.broadcast %add3A_20 : f32 to vector<2000x1xf32>
    %add3A_22 = arith.addf %add3A_19, %add3A_21 : vector<2000x1xf32>
    %div3A = vector.broadcast %add3A_22 : vector<2000x1xf32> to vector<2000x128xf32>
    %div3A_23 = arith.divf %add3A, %div3A : vector<2000x128xf32>
    %get3A_24 = arith.constant 0 : index
    %get3A_25 = arith.constant 0 : index
    %get3A_26 = vector.load %arg3[%get3A_24, %get3A_25] : memref<1x128xf32, #tpu.memory_space<vmem>>, vector<1x128xf32>
    %add3A_27 = vector.broadcast %get3A_26 : vector<1x128xf32> to vector<2000x128xf32>
    %add3A_28 = arith.addf %div3A_23, %add3A_27 : vector<2000x128xf32>
    %swap3A = arith.constant 0 : index
    %swap3A_29 = arith.constant 0 : index
    %swap3A_30 = vector.load %arg4[%swap3A, %swap3A_29] : memref<2000x128xf32, #tpu.memory_space<vmem>>, vector<2000x128xf32>
    tpu.vector_store %arg4[%swap3A, %swap3A_29], %add3A_28 {strides = array<i32>} : memref<2000x128xf32, #tpu.memory_space<vmem>>, vector<2000x128xf32>,
    return
  }
  func.func @transform_0(%arg0: i32) -> (i32, i32, i32) {
    %c0_i32 = arith.constant 0 : i32
    %c0_i32_0 = arith.constant 0 : i32
    %c0_i32_1 = arith.constant 0 : i32
    return %c0_i32, %arg0, %c0_i32_0 : i32, i32, i32
  }
  func.func @transform_1(%arg0: i32) -> (i32, i32, i32) {
    %c0_i32 = arith.constant 0 : i32
    %c0_i32_0 = arith.constant 0 : i32
    %c0_i32_1 = arith.constant 0 : i32
    return %c0_i32, %arg0, %c0_i32_0 : i32, i32, i32
  }
  func.func @transform_2(%arg0: i32) -> (i32, i32) {
    %c0_i32 = arith.constant 0 : i32
    %c0_i32_0 = arith.constant 0 : i32
    %c0_i32_1 = arith.constant 0 : i32
    return %c0_i32, %c0_i32_0 : i32, i32
  }
  func.func @transform_3(%arg0: i32) -> (i32, i32) {
    %c0_i32 = arith.constant 0 : i32
    %c0_i32_0 = arith.constant 0 : i32
    return %arg0, %c0_i32 : i32, i32
  }
}

</mosaic_0001>

<sc_bundles>
// kernel: kernel.11.cloned.1.call-start
scs
__scs_entry_jumppad:
0x0: {  	(pc) =	sbr.rel $0x88, $3  }
0x1: {  	(tag) =	ssettag $0x0;
	lr =	simm.s32 $0x1  }
0x2: {  	[smem:$0x3F92] =	sst lr;
	_ =	strace $0xD0000000  }
0x3: {  	_ = 	snop  }
0x4: {  	_ = 	snop  }
0x5: {  	_ = 	snop  }
0x6: {  	_ = 	snop  }
0x7: {  	_ = 	snop  }
__scs_overlays_trampoline_lowered:
0x8: {  	[smem:$0x3FA1] =	sst s0  }
0x9: {  	[smem:$0x3FA2] =	sst s1  }
0xa: {  	[smem:$0x3FA3] =	sst s2  }
0xb: {  	[smem:$0x3FA4] =	sst s3  }
0xc: {  	[smem:$0x3FA5] =	sst s4  }
0xd: {  	[smem:$0x3FA6] =	sst s5  }
0xe: {  	[smem:$0x3FA7] =	sst s6  }
0xf: {  	[smem:$0x3FA8] =	sst s7  }
0x10: {  	[smem:$0x3FA9] =	sst s8  }
0x11: {  	[smem:$0x3FAA] =	sst s9;
	s0 =	simm.s32 @!p0 $0x0  }
0x12: {  	s1 =	sld [smem:$0x3F90];
	s0 =	simm.s32 @p0 $0x1  }
0x13: {  	[smem:$0x3FAB] =	sst s0;
	s0 =	simm.s32 @!p1 $0x0  }
0x14: {  	s2 =	sld [smem:$0x3F8F];
	s0 =	simm.s32 @p1 $0x1  }
0x15: {  	[smem:$0x3FAC] =	sst s0;
	s0 =	simm.s32 @!p2 $0x0  }
0x16: {  	s3 =	sld [smem:$0x3FDB];
	s0 =	simm.s32 @p2 $0x1  }
0x17: {  	s4 =	simm.s32 $0x1BF5;
	[smem:$0x3FAE] =	sst s0  }
0x18: {  	s0 =	sld [smem:$0x3F91];
	_ =	swait.ge [sflag:s4], $0x0  }
0x19: {  	s7 =	sld [smem:$0x3F92]  }
0x1a: {  	s8 =	sadd.s32 $0xFFFFE003, lr  }
0x1b: {  	s9 =	sadd.s32 $0xFFFFFEF7, lr;
	s5 =	simm.s32 $0xFFFFFFFF;
	p2 =	slt.u32 s8, $0xFFFFF086  }
0x1c: {  	p1 =	slt.u32 s9, $0xF7A;
	s5 =	simm.s32 @!p2 $0x0  }
0x1d: {  	s5 =	simm.s32 @p1 $0x1;
	p0 =	seq.s32 s7, s2  }
0x1e: {  	s7 =	smul.u32 @!p0 $0xF7A, s2;
	p2 =	seq.s32 @!p0 s5, $0x0  }
0x1f: {  	s9 =	smul.u32 $0xF7A, s1;
	s8 =	simm.s32 @!p0 $0x1BF5;
	p2 =	por !p2, p0  }
0x20: {  	[sflag:s8] =	ssyncset.s32 @!p0 $0xFFFFF086;
	s6 =	sadd.s32 @!p0 s3, s7;
	s7 =	simm.s32 @!p0 $0x108  }
0x21: {  	s3 =	sadd.s32 s3, s9;
	s6 =	sadd.s32 @!p0 $0x88, s6;
	s7 =	simm.s32 @p2 $0x1082  }
0x22: {  	[simem:s7], [sflag:s8] =	dma.local @!p0 [hbm:s6], $0xF7A  }
0x23: {  	s9 =	sor.u32 $0xD0000000, s2;
	s6 =	simm.s32 $0x108;
	_ =	swait.ge @!p0 [sflag:s8], $0x0  }
0x24: {  	s3 =	sadd.s32 $0x88, s3;
	s6 =	simm.s32 @!p1 $0x1082;
	[sflag:s4] =	ssyncset.s32 $0xFFFFF086  }
0x25: {  	[simem:s6], [sflag:s4] =	dma.local [hbm:s3], $0xF7A  }
0x26: {  	[smem:$0x3F92] =	sst s1;
	(tag) =	ssettag s2;
	_ =	strace s9  }
0x27: {  	s1 =	sld [smem:$0x3FA2]  }
0x28: {  	s2 =	sld [smem:$0x3FA3]  }
0x29: {  	s4 =	sld [smem:$0x3FA5]  }
0x2a: {  	p0 =	seq.s32 s5, $0x0;
	s5 =	sld [smem:$0x3FA6]  }
0x2b: {  	s6 =	sld [smem:$0x3FA7]  }
0x2c: {  	s7 =	sld [smem:$0x3FA8]  }
0x2d: {  	s3 =	simm.s32 $0x108;
	s8 =	sld [smem:$0x3FA9]  }
0x2e: {  	s3 =	simm.s32 @!p0 $0x1082;
	s9 =	sld [smem:$0x3FAA]  }
0x2f: {  	lr =	sadd.s32 s0, s3;
	s0 =	sld [smem:$0x3FA1]  }
0x30: {  	s3 =	sld [smem:$0x3FA4]  }
0x31: {  	[smem:$0x3FAD] =	sst s10  }
0x32: {  	s10 =	sld [smem:$0x3FAB];
	_ =	sdelay $0x3  }
0x33: {  	p0 =	seq.s32 s10, $0x1;
	s10 =	sld [smem:$0x3FAD];
	_ =	sdelay $0x3  }
0x34: {  	[smem:$0x3FAD] =	sst s10  }
0x35: {  	s10 =	sld [smem:$0x3FAC];
	_ =	sdelay $0x3  }
0x36: {  	p1 =	seq.s32 s10, $0x1;
	s10 =	sld [smem:$0x3FAD];
	_ =	sdelay $0x3  }
0x37: {  	[smem:$0x3FAD] =	sst s10  }
0x38: {  	s10 =	sld [smem:$0x3FAE]  }
0x39: {  	_ = 	snop;
	(pc) =	sbr.ind lr, $3  }
0x3a: {  	_ = 	snop  }
0x3b: {  	_ = 	snop  }
0x3c: {  	p2 =	seq.s32 s10, $0x1;
	s10 =	sld [smem:$0x3FAD]  }
0x3d: {  	_ =	shalt  }
0x3e: {  	_ =	shalt  }
0x3f: {  	_ =	shalt  }
0x40: {  	_ =	shalt  }
0x41: {  	_ =	shalt  }
0x42: {  	_ =	shalt  }
0x43: {  	_ =	shalt  }
0x44: {  	_ =	shalt  }
0x45: {  	_ =	shalt  }
0x46: {  	_ =	shalt  }
0x47: {  	_ =	shalt  }
0x48: {  	_ =	shalt  }
0x49: {  	_ =	shalt  }
0x4a: {  	_ =	shalt  }
0x4b: {  	_ =	shalt  }
0x4c: {  	_ =	shalt  }
0x4d: {  	_ =	shalt  }
0x4e: {  	_ =	shalt  }
0x4f: {  	_ =	shalt  }
0x50: {  	_ =	shalt  }
0x51: {  	_ =	shalt  }
0x52: {  	_ =	shalt  }
0x53: {  	_ =	shalt  }
0x54: {  	_ =	shalt  }
0x55: {  	_ =	shalt  }
0x56: {  	_ =	shalt  }
0x57: {  	_ =	shalt  }
0x58: {  	_ =	shalt  }
0x59: {  	_ =	shalt  }
0x5a: {  	_ =	shalt  }
0x5b: {  	_ =	shalt  }
0x5c: {  	_ =	shalt  }
0x5d: {  	_ =	shalt  }
0x5e: {  	_ =	shalt  }
0x5f: {  	_ =	shalt  }
0x60: {  	_ =	shalt  }
0x61: {  	_ =	shalt  }
0x62: {  	_ =	shalt  }
0x63: {  	_ =	shalt  }
0x64: {  	_ =	shalt  }
0x65: {  	_ =	shalt  }
0x66: {  	_ =	shalt  }
0x67: {  	_ =	shalt  }
0x68: {  	_ =	shalt  }
0x69: {  	_ =	shalt  }
0x6a: {  	_ =	shalt  }
0x6b: {  	_ =	shalt  }
0x6c: {  	_ =	shalt  }
0x6d: {  	_ =	shalt  }
0x6e: {  	_ =	shalt  }
0x6f: {  	_ =	shalt  }
0x70: {  	_ =	shalt  }
0x71: {  	_ =	shalt  }
0x72: {  	_ =	shalt  }
0x73: {  	_ =	shalt  }
0x74: {  	_ =	shalt  }
0x75: {  	_ =	shalt  }
0x76: {  	_ =	shalt  }
0x77: {  	_ =	shalt  }
0x78: {  	_ =	shalt  }
0x79: {  	_ =	shalt  }
0x7a: {  	_ =	shalt  }
0x7b: {  	_ =	shalt  }
0x7c: {  	_ =	shalt  }
0x7d: {  	_ =	shalt  }
0x7e: {  	_ =	shalt  }
0x7f: {  	_ =	shalt  }
0x80: {  	_ =	shalt  }
0x81: {  	_ =	shalt  }
0x82: {  	_ =	shalt  }
0x83: {  	_ =	shalt  }
0x84: {  	_ =	shalt  }
0x85: {  	_ =	shalt  }
0x86: {  	_ =	shalt  }
0x87: {  	_ =	shalt  }
.Lfunc_end0:
.L_simem_size_0:
called_computation.1_lowered:
.L_overlay_start_0:
0x88: {  	s2 =	sld [smem:$0x3FD9]  }
0x89: {  	s3 =	sld [smem:$0x3FFE];
	_ =	sdelay $0x1  }
0x8a: {  	s1 =	srdreg.scid  }
0x8b: {  	s0 =	sand.u32 $0x1, s1  }
0x8c: {  	s16 =	sshll.u32 s0, $0xA;
	s2 =	sadd.s32 s3, s2  }
0x8d: {  	s2 =	sadd.s32 s2, s16  }
0x8e: {  	[smem:$0x3FB9] =	sst s2  }
0x8f: {  	_ = 	snop  }
0x90: {  	(tm) =	ssettm $0x1  }
0x91: {  	s17 =	sld [smem:$0x3FFB];
	_ =	sdelay $0x3  }
0x92: {  	_ =	strace s17  }
0x93: {  	s2 =	sld [smem:$0x3FFC];
	_ =	sdelay $0x3  }
0x94: {  	_ =	strace s2  }
0x95: {  	s2 =	sld [smem:$0x3FFD];
	_ =	sdelay $0x3  }
0x96: {  	_ =	strace s2  }
0x97: {  	_ =	strace $0x8FFFFFFF  }
0x98: {  	s18 =	sld [smem:$0x3FDB];
	_ =	sdelay $0x1  }
0x99: {  	s19 =	simm.s32 $_scs_section_size  }
0x9a: {  	s4 =	simm.s32 $_size__tile_overlayer_lowered;
	s5 =	simm.s32 $_tile_overlayer_lowered  }
0x9b: {  	s22 =	simm.s32 $0x1BFF;
	s21 =	sshll.u32 s5, $0x1;
	s2 =	sadd.s32 s19, s18  }
0x9c: {  	s6 =	simm.s32 $0x0;
	s20 =	sshll.u32 s4, $0x1;
	s4 =	sadd.s32 s21, s2  }
0x9d: {  	[timem:s6], [sflag:s22] =	dma.local [hbm:s4], s20  }
0x9e: {  	_ =	swait.ge [sflag:s22], s20  }
0x9f: {  	s3 =	ssub.s32 $0x0, s20;
	[sflag:s22] =	ssyncset.done $0x0  }
0xa0: {  	[sflag:s22] =	ssyncadd.s32 s3;
	_ =	sdelay $0x1  }
0xa1: {  	s23 =	simm.s32 $0x1B8B  }
0xa2: {  	_ =	swait.ge [sflag:s23], $0x1  }
0xa3: {  	[sflag:s23] =	ssyncset.done $0x0  }
0xa4: {  	s25 =	simm.s32 $0x1B8E;
	s24 =	sld [smem:$0x3FFE];
	[sflag:s23] =	ssyncadd.s32 $0xFFFFFFFF  }
0xa5: {  	s26 =	simm.s32 $execute0_lowered;
	[smem:$0x3FD2] =	sst s25  }
0xa6: {  	s4 =	sshll.u32 s26, $0x1;
	_ =	strace $0x80000049;
	[dreg:$0x1] =	wrdreg $0xFFFFFFFF  }
0xa7: {  	s28 =	simm.s32 $_size_execute0_lowered;
	s2 =	sadd.s32 s2, s4;
	[dreg:$0x0] =	wrdreg $0x0  }
0xa8: {  	s4 =	sshll.u32 s28, $0x1;
	[dreg:$0x2] =	wrdreg s2  }
0xa9: {  	[dreg:$0x3] =	wrdreg s4  }
0xaa: {  	[dreg:$0x4] =	wrdreg $0xC0  }
0xab: {  	_ =	task [dreg:s6], $0x5FFFF  }
0xac: {  	[dreg:$0x1] =	wrdreg $0xFFFFFFFF  }
0xad: {  	[dreg:$0x0] =	wrdreg $0x60  }
0xae: {  	[dreg:$0x2] =	wrdreg s24  }
0xaf: {  	[dreg:$0x3] =	wrdreg $0x800  }
0xb0: {  	[dreg:$0x4] =	wrdreg $0x139000  }
0xb1: {  	[dreg:$0x5] =	wrdreg $0x9  }
0xb2: {  	_ =	task.clear_ibuf [dreg:s6], $0x6FFFF;
	_ =	strace $0x90000049  }
0xb3: {  	s29 =	simm.s32 $0x9;
	_ =	strace $0x8000004B  }
0xb4: {  	_ =	swait.ge [sflag:s29], $0x1  }
0xb5: {  	[sflag:s29] =	ssyncadd.s32 $0xFFFFFFFF  }
0xb6: {  	_ =	strace $0x9000004B  }
0xb7: {  	_ =	sfence  }
0xb8: {  	s30 =	sld [smem:$0x0];
	_ =	sdelay $0x2  }
0xb9: {  	s31 =	sshll.u32 s1, $0xD;
	s1 =	sshrl.u32 s1, $0x2  }
0xba: {  	s3 =	sand.u32 $0x4000, s31;
	s1 =	sadd.s32 s1, s30  }
0xbb: {  	s0 =	sor.u32 s3, s0;
	s1 =	sshll.u32 s1, $0x11  }
0xbc: {  	s0 =	sor.u32 s1, s0  }
0xbd: {  	s0 =	sadd.s32 $0x8F2B, s0  }
0xbe: {  	[sflag:s0] =	ssyncadd.remote.s32 $0x1  }
0xbf: {  	_ =	sfence.sel $0xFFFF  }
0xc0: {  	[dreg:$0x0] =	wrdreg $0xFFFFFFFF;
	(pc) =	sbr.abs _section_cstart, $3  }
0xc1: {  	[dreg:$0x1] =	wrdreg $0xFFFFFFFF  }
0xc2: {  	_ =	task.clear_ibuf [dreg:s6], $0x2FFFF;
	_ =	strace $0x9FFFFFFF  }
0xc3: {  	(tm) =	ssettm $0x7FFFFFFF  }
tec
execute0_lowered:
.L_overlay_start_1:
0x0: {  	(tag) =	ssettag $0x1  }
0x1: {  	s11 =	rddreg [dreg:$0x0]  }
0x2: {  	s5 =	rddreg [dreg:$0x1]  }
0x3: {  	s9 =	rddreg [dreg:$0x2]  }
0x4: {  	s0 =	rddreg [dreg:$0x3];
	s1 =	simm.s32 $0x0  }
0x5: {  	[smem:$0x7FF] =	sst s1  }
0x6: {  	s3 =	simm.s32 $0x1;
	s2 =	sadd.s32 $0x15C00, s11;
	_ =	strace $0x8000004A  }
0x7: {  	[tilespmem:s1], [sflag:$0x1] =	stream.linear.gather [hbm4b:s2+s1], $0x80, $0x38;
	[tilespmem:$0x13B78] =	vst v63  }
0x8: {  	_ =	swait.ge [sflag:s3], $0x80  }
0x9: {  	s4 =	stileid.u32;
	[sflag:s3] =	ssyncset.done $0x0  }
0xa: {  	p0 =	sne.s32 s4, $0x0;
	[sflag:s3] =	ssyncadd.s32 $0xFFFFFF80  }
0xb: {  	s4 =	sadd.s32 $0x16400, s11;
	s6 =	sshrl.u32 @!p0 s5, $0x3;
	[bflag:$0x0] =	sbarrier.arrive @p0 $0xFFFF  }
0xc: {  	s7 =	simm.s32 @!p0 $0x1C01;
	s5 =	simm.s32 @!p0 $0x1;
	[bflag:$0x0] =	sbarrier.arrive @p0 $0xFFFF  }
0xd: {  	[spmem:s6], [sflag:s7] =	dma.local @!p0 [hbm:s4], $0x27100  }
0xe: {  	_ =	swait.ge @!p0 [sflag:s5], $0x27100  }
0xf: {  	s10 =	srdreg.scid;
	s8 =	sadd.s32 $0x3D600, s11;
	[sflag:s5] =	ssyncset.done @!p0 $0x0  }
0x10: {  	s10 =	sand.u32 $0x1, s10;
	s9 =	sshrl.u32 @!p0 s9, $0x3;
	[sflag:s5] =	ssyncadd.s32 @!p0 $0xFFFD8F00  }
0x11: {  	[spmem:s9], [sflag:s7] =	dma.local @!p0 [hbm:s8], $0x4F0  }
0x12: {  	s12 =	smul.u32 $0x27100, s10;
	s14 =	ssub.s32 $0x2, s10;
	_ =	swait.ge @!p0 [sflag:s5], $0x4F0  }
0x13: {  	s13 =	smul.u32 $0x4F0, s10;
	s15 =	sshrl.u32 s14, $0x1;
	[sflag:s5] =	ssyncset.done @!p0 $0x0  }
0x14: {  	s12 =	sadd.s32 s12, s11;
	s31 =	ssub.s32 s14, s15;
	[sflag:s5] =	ssyncadd.s32 @!p0 $0xFFFFFB10  }
0x15: {  	s10 =	sadd.s32 $0x3E600, s12;
	s12 =	smax.u32 s31, $0x1;
	[bflag:$0x0] =	sbarrier.arrive @!p0 $0xFFFF  }
0x16: {  	s12 =	sadd.s32 $0xFFFFFFFF, s12;
	[bflag:$0x0] =	sbarrier.arrive @!p0 $0xFFFF  }
0x17: {  	[hbm:s10], [sflag:s7] =	dma.local @!p0 [spmem:s6], $0x27100  }
0x18: {  	p1 =	sne.s32 s12, $0x0;
	_ =	swait.ge @!p0 [sflag:s5], $0x27100  }
.Ltmp0:
0x19: {  	s11 =	sadd.s32 s13, s11;
	[sflag:s5] =	ssyncset.done @!p0 $0x0;
	(pc) =	sbr.rel @!p1 .LBB2_2-.Ltmp0, $4  }
0x1a: {  	s11 =	sadd.s32 $0x3DC00, s11;
	[sflag:s5] =	ssyncadd.s32 @!p0 $0xFFFD8F00  }
0x1b: {  	[hbm:s11], [sflag:s7] =	dma.local @!p0 [spmem:s9], $0x4F0  }
0x1c: {  	_ =	swait.ge @!p0 [sflag:s5], $0x4F0  }
0x1d: {  	[sflag:s5] =	ssyncset.done @!p0 $0x0  }
.LBB2_1:
0x1e: {  	s12 =	sadd.s32 $0xFFFFFFFF, s12;
	[sflag:s5] =	ssyncadd.s32 @!p0 $0xFFFFFB10  }
0x1f: {  	[tilespmem:s1], [sflag:$0x1] =	stream.linear.gather [hbm4b:s2+s1], $0x80, $0x38;
	[tilespmem:$0x13B78] =	vst v63  }
0x20: {  	p1 =	sne.s32 s12, $0x0;
	_ =	swait.ge [sflag:s3], $0x80  }
0x21: {  	[sflag:s3] =	ssyncset.done $0x0  }
0x22: {  	[sflag:s3] =	ssyncadd.s32 $0xFFFFFF80  }
0x23: {  	[bflag:$0x0] =	sbarrier.arrive @p0 $0xFFFF  }
0x24: {  	[bflag:$0x0] =	sbarrier.arrive @p0 $0xFFFF  }
0x25: {  	[spmem:s6], [sflag:s7] =	dma.local @!p0 [hbm:s4], $0x27100  }
0x26: {  	_ =	swait.ge @!p0 [sflag:s5], $0x27100  }
0x27: {  	[sflag:s5] =	ssyncset.done @!p0 $0x0  }
0x28: {  	[sflag:s5] =	ssyncadd.s32 @!p0 $0xFFFD8F00  }
0x29: {  	[spmem:s9], [sflag:s7] =	dma.local @!p0 [hbm:s8], $0x4F0  }
0x2a: {  	_ =	swait.ge @!p0 [sflag:s5], $0x4F0  }
0x2b: {  	[sflag:s5] =	ssyncset.done @!p0 $0x0  }
0x2c: {  	[sflag:s5] =	ssyncadd.s32 @!p0 $0xFFFFFB10  }
0x2d: {  	[bflag:$0x0] =	sbarrier.arrive @!p0 $0xFFFF  }
0x2e: {  	[bflag:$0x0] =	sbarrier.arrive @!p0 $0xFFFF  }
0x2f: {  	[hbm:s10], [sflag:s7] =	dma.local @!p0 [spmem:s6], $0x27100  }
0x30: {  	_ =	swait.ge @!p0 [sflag:s5], $0x27100  }
.Ltmp1:
0x31: {  	[sflag:s5] =	ssyncset.done @!p0 $0x0;
	(pc) =	sbr.rel @p1 .LBB2_1-.Ltmp1, $4  }
0x32: {  	[sflag:s5] =	ssyncadd.s32 @!p0 $0xFFFD8F00  }
0x33: {  	[hbm:s11], [sflag:s7] =	dma.local @!p0 [spmem:s9], $0x4F0  }
0x34: {  	_ =	swait.ge @!p0 [sflag:s5], $0x4F0  }
0x35: {  	[sflag:s5] =	ssyncset.done @!p0 $0x0  }
.LBB2_2:
0x36: {  	[sflag:s5] =	ssyncadd.s32 @!p0 $0xFFFFFB10  }
0x37: {  	_ =	sfence.sel $0x180000  }
0x38: {  	[bflag:$0x0] =	sbarrier.arrive $0xFFFF  }
0x39: {  	_ =	strace $0x9000004A  }
0x3a: {  	s0 =	sadd.s32 @!p0 $0x100000, s0;
	[bflag:$0x2] =	sbarrier.arrive $0xFFFF  }
0x3b: {  	[sflag:s0] =	ssyncadd.tile.s32 @!p0 $0x1;
	_ =	shalt  }
.Lfunc_end2:
_tile_overlayer_lowered:
.L_overlay_start_2:
0x3c: {  	(tag) =	ssettag $0x2  }
0x3d: {  	s0 =	rddreg [dreg:$0x0];
	s2 =	stileid.u32  }
0x3e: {  	s1 =	rddreg [dreg:$0x1];
	p0 =	sne.s32 s2, $0x0  }
0x3f: {  	s3 =	rddreg [dreg:$0x2];
	[bflag:$0x3] =	sbarrier.arrive $0xFFFF;
	s2 =	simm.s32 @!p0 $0x1C01  }
0x40: {  	[timem:s3], [sflag:s2] =	dma.local @!p0 [hbm:s0], s1  }
0x41: {  	s0 =	simm.s32 @!p0 $0x1  }
0x42: {  	_ =	swait.ge @!p0 [sflag:s0], s1  }
0x43: {  	s1 =	ssub.s32 @!p0 $0x0, s1;
	[sflag:s0] =	ssyncset.done @!p0 $0x0  }
0x44: {  	[sflag:s0] =	ssyncadd.s32 @!p0 s1  }
0x45: {  	[bflag:$0x3] =	sbarrier.arrive $0xFFFF  }
0x46: {  	_ =	shalt  }

// kernel: kernel.8.cloned.1.call-start
scs
__scs_entry_jumppad:
0x0: {  	(pc) =	sbr.rel $0x88, $3  }
0x1: {  	(tag) =	ssettag $0x0;
	lr =	simm.s32 $0x1  }
0x2: {  	[smem:$0x3F92] =	sst lr;
	_ =	strace $0xD0000000  }
0x3: {  	_ = 	snop  }
0x4: {  	_ = 	snop  }
0x5: {  	_ = 	snop  }
0x6: {  	_ = 	snop  }
0x7: {  	_ = 	snop  }
__scs_overlays_trampoline_lowered:
0x8: {  	[smem:$0x3FA1] =	sst s0  }
0x9: {  	[smem:$0x3FA2] =	sst s1  }
0xa: {  	[smem:$0x3FA3] =	sst s2  }
0xb: {  	[smem:$0x3FA4] =	sst s3  }
0xc: {  	[smem:$0x3FA5] =	sst s4  }
0xd: {  	[smem:$0x3FA6] =	sst s5  }
0xe: {  	[smem:$0x3FA7] =	sst s6  }
0xf: {  	[smem:$0x3FA8] =	sst s7  }
0x10: {  	[smem:$0x3FA9] =	sst s8  }
0x11: {  	[smem:$0x3FAA] =	sst s9;
	s0 =	simm.s32 @!p0 $0x0  }
0x12: {  	s1 =	sld [smem:$0x3F90];
	s0 =	simm.s32 @p0 $0x1  }
0x13: {  	[smem:$0x3FAB] =	sst s0;
	s0 =	simm.s32 @!p1 $0x0  }
0x14: {  	s2 =	sld [smem:$0x3F8F];
	s0 =	simm.s32 @p1 $0x1  }
0x15: {  	[smem:$0x3FAC] =	sst s0;
	s0 =	simm.s32 @!p2 $0x0  }
0x16: {  	s3 =	sld [smem:$0x3FDB];
	s0 =	simm.s32 @p2 $0x1  }
0x17: {  	s4 =	simm.s32 $0x1BF5;
	[smem:$0x3FAE] =	sst s0  }
0x18: {  	s0 =	sld [smem:$0x3F91];
	_ =	swait.ge [sflag:s4], $0x0  }
0x19: {  	s7 =	sld [smem:$0x3F92]  }
0x1a: {  	s8 =	sadd.s32 $0xFFFFE003, lr  }
0x1b: {  	s9 =	sadd.s32 $0xFFFFFEF7, lr;
	s5 =	simm.s32 $0xFFFFFFFF;
	p2 =	slt.u32 s8, $0xFFFFF086  }
0x1c: {  	p1 =	slt.u32 s9, $0xF7A;
	s5 =	simm.s32 @!p2 $0x0  }
0x1d: {  	s5 =	simm.s32 @p1 $0x1;
	p0 =	seq.s32 s7, s2  }
0x1e: {  	s7 =	smul.u32 @!p0 $0xF7A, s2;
	p2 =	seq.s32 @!p0 s5, $0x0  }
0x1f: {  	s9 =	smul.u32 $0xF7A, s1;
	s8 =	simm.s32 @!p0 $0x1BF5;
	p2 =	por !p2, p0  }
0x20: {  	[sflag:s8] =	ssyncset.s32 @!p0 $0xFFFFF086;
	s6 =	sadd.s32 @!p0 s3, s7;
	s7 =	simm.s32 @!p0 $0x108  }
0x21: {  	s3 =	sadd.s32 s3, s9;
	s6 =	sadd.s32 @!p0 $0x88, s6;
	s7 =	simm.s32 @p2 $0x1082  }
0x22: {  	[simem:s7], [sflag:s8] =	dma.local @!p0 [hbm:s6], $0xF7A  }
0x23: {  	s9 =	sor.u32 $0xD0000000, s2;
	s6 =	simm.s32 $0x108;
	_ =	swait.ge @!p0 [sflag:s8], $0x0  }
0x24: {  	s3 =	sadd.s32 $0x88, s3;
	s6 =	simm.s32 @!p1 $0x1082;
	[sflag:s4] =	ssyncset.s32 $0xFFFFF086  }
0x25: {  	[simem:s6], [sflag:s4] =	dma.local [hbm:s3], $0xF7A  }
0x26: {  	[smem:$0x3F92] =	sst s1;
	(tag) =	ssettag s2;
	_ =	strace s9  }
0x27: {  	s1 =	sld [smem:$0x3FA2]  }
0x28: {  	s2 =	sld [smem:$0x3FA3]  }
0x29: {  	s4 =	sld [smem:$0x3FA5]  }
0x2a: {  	p0 =	seq.s32 s5, $0x0;
	s5 =	sld [smem:$0x3FA6]  }
0x2b: {  	s6 =	sld [smem:$0x3FA7]  }
0x2c: {  	s7 =	sld [smem:$0x3FA8]  }
0x2d: {  	s3 =	simm.s32 $0x108;
	s8 =	sld [smem:$0x3FA9]  }
0x2e: {  	s3 =	simm.s32 @!p0 $0x1082;
	s9 =	sld [smem:$0x3FAA]  }
0x2f: {  	lr =	sadd.s32 s0, s3;
	s0 =	sld [smem:$0x3FA1]  }
0x30: {  	s3 =	sld [smem:$0x3FA4]  }
0x31: {  	[smem:$0x3FAD] =	sst s10  }
0x32: {  	s10 =	sld [smem:$0x3FAB];
	_ =	sdelay $0x3  }
0x33: {  	p0 =	seq.s32 s10, $0x1;
	s10 =	sld [smem:$0x3FAD];
	_ =	sdelay $0x3  }
0x34: {  	[smem:$0x3FAD] =	sst s10  }
0x35: {  	s10 =	sld [smem:$0x3FAC];
	_ =	sdelay $0x3  }
0x36: {  	p1 =	seq.s32 s10, $0x1;
	s10 =	sld [smem:$0x3FAD];
	_ =	sdelay $0x3  }
0x37: {  	[smem:$0x3FAD] =	sst s10  }
0x38: {  	s10 =	sld [smem:$0x3FAE]  }
0x39: {  	_ = 	snop;
	(pc) =	sbr.ind lr, $3  }
0x3a: {  	_ = 	snop  }
0x3b: {  	_ = 	snop  }
0x3c: {  	p2 =	seq.s32 s10, $0x1;
	s10 =	sld [smem:$0x3FAD]  }
0x3d: {  	_ =	shalt  }
0x3e: {  	_ =	shalt  }
0x3f: {  	_ =	shalt  }
0x40: {  	_ =	shalt  }
0x41: {  	_ =	shalt  }
0x42: {  	_ =	shalt  }
0x43: {  	_ =	shalt  }
0x44: {  	_ =	shalt  }
0x45: {  	_ =	shalt  }
0x46: {  	_ =	shalt  }
0x47: {  	_ =	shalt  }
0x48: {  	_ =	shalt  }
0x49: {  	_ =	shalt  }
0x4a: {  	_ =	shalt  }
0x4b: {  	_ =	shalt  }
0x4c: {  	_ =	shalt  }
0x4d: {  	_ =	shalt  }
0x4e: {  	_ =	shalt  }
0x4f: {  	_ =	shalt  }
0x50: {  	_ =	shalt  }
0x51: {  	_ =	shalt  }
0x52: {  	_ =	shalt  }
0x53: {  	_ =	shalt  }
0x54: {  	_ =	shalt  }
0x55: {  	_ =	shalt  }
0x56: {  	_ =	shalt  }
0x57: {  	_ =	shalt  }
0x58: {  	_ =	shalt  }
0x59: {  	_ =	shalt  }
0x5a: {  	_ =	shalt  }
0x5b: {  	_ =	shalt  }
0x5c: {  	_ =	shalt  }
0x5d: {  	_ =	shalt  }
0x5e: {  	_ =	shalt  }
0x5f: {  	_ =	shalt  }
0x60: {  	_ =	shalt  }
0x61: {  	_ =	shalt  }
0x62: {  	_ =	shalt  }
0x63: {  	_ =	shalt  }
0x64: {  	_ =	shalt  }
0x65: {  	_ =	shalt  }
0x66: {  	_ =	shalt  }
0x67: {  	_ =	shalt  }
0x68: {  	_ =	shalt  }
0x69: {  	_ =	shalt  }
0x6a: {  	_ =	shalt  }
0x6b: {  	_ =	shalt  }
0x6c: {  	_ =	shalt  }
0x6d: {  	_ =	shalt  }
0x6e: {  	_ =	shalt  }
0x6f: {  	_ =	shalt  }
0x70: {  	_ =	shalt  }
0x71: {  	_ =	shalt  }
0x72: {  	_ =	shalt  }
0x73: {  	_ =	shalt  }
0x74: {  	_ =	shalt  }
0x75: {  	_ =	shalt  }
0x76: {  	_ =	shalt  }
0x77: {  	_ =	shalt  }
0x78: {  	_ =	shalt  }
0x79: {  	_ =	shalt  }
0x7a: {  	_ =	shalt  }
0x7b: {  	_ =	shalt  }
0x7c: {  	_ =	shalt  }
0x7d: {  	_ =	shalt  }
0x7e: {  	_ =	shalt  }
0x7f: {  	_ =	shalt  }
0x80: {  	_ =	shalt  }
0x81: {  	_ =	shalt  }
0x82: {  	_ =	shalt  }
0x83: {  	_ =	shalt  }
0x84: {  	_ =	shalt  }
0x85: {  	_ =	shalt  }
0x86: {  	_ =	shalt  }
0x87: {  	_ =	shalt  }
.Lfunc_end0:
.L_simem_size_0:
called_computation_lowered:
.L_overlay_start_0:
0x88: {  	s2 =	sld [smem:$0x3FD9]  }
0x89: {  	s3 =	sld [smem:$0x3FFE];
	_ =	sdelay $0x1  }
0x8a: {  	s1 =	srdreg.scid  }
0x8b: {  	s0 =	sand.u32 $0x1, s1  }
0x8c: {  	s16 =	sshll.u32 s0, $0xA;
	s2 =	sadd.s32 s3, s2  }
0x8d: {  	s2 =	sadd.s32 s2, s16  }
0x8e: {  	[smem:$0x3FB9] =	sst s2  }
0x8f: {  	_ = 	snop  }
0x90: {  	(tm) =	ssettm $0x1  }
0x91: {  	s17 =	sld [smem:$0x3FFB];
	_ =	sdelay $0x3  }
0x92: {  	_ =	strace s17  }
0x93: {  	s2 =	sld [smem:$0x3FFC];
	_ =	sdelay $0x3  }
0x94: {  	_ =	strace s2  }
0x95: {  	s2 =	sld [smem:$0x3FFD];
	_ =	sdelay $0x3  }
0x96: {  	_ =	strace s2  }
0x97: {  	_ =	strace $0x8FFFFFFF  }
0x98: {  	s18 =	sld [smem:$0x3FDB];
	_ =	sdelay $0x1  }
0x99: {  	s19 =	simm.s32 $_scs_section_size  }
0x9a: {  	s4 =	simm.s32 $_size__tile_overlayer_lowered;
	s5 =	simm.s32 $_tile_overlayer_lowered  }
0x9b: {  	s22 =	simm.s32 $0x1BFF;
	s21 =	sshll.u32 s5, $0x1;
	s2 =	sadd.s32 s19, s18  }
0x9c: {  	s6 =	simm.s32 $0x0;
	s20 =	sshll.u32 s4, $0x1;
	s4 =	sadd.s32 s21, s2  }
0x9d: {  	[timem:s6], [sflag:s22] =	dma.local [hbm:s4], s20  }
0x9e: {  	_ =	swait.ge [sflag:s22], s20  }
0x9f: {  	s3 =	ssub.s32 $0x0, s20;
	[sflag:s22] =	ssyncset.done $0x0  }
0xa0: {  	[sflag:s22] =	ssyncadd.s32 s3;
	_ =	sdelay $0x1  }
0xa1: {  	s23 =	simm.s32 $0x1B8B  }
0xa2: {  	_ =	swait.ge [sflag:s23], $0x1  }
0xa3: {  	[sflag:s23] =	ssyncset.done $0x0  }
0xa4: {  	s25 =	simm.s32 $0x1B8E;
	s24 =	sld [smem:$0x3FFE];
	[sflag:s23] =	ssyncadd.s32 $0xFFFFFFFF  }
0xa5: {  	s26 =	simm.s32 $execute0_lowered;
	[smem:$0x3FD2] =	sst s25  }
0xa6: {  	s4 =	sshll.u32 s26, $0x1;
	_ =	strace $0x80000046;
	[dreg:$0x1] =	wrdreg $0xFFFFFFFF  }
0xa7: {  	s28 =	simm.s32 $_size_execute0_lowered;
	s2 =	sadd.s32 s2, s4;
	[dreg:$0x0] =	wrdreg $0x0  }
0xa8: {  	s4 =	sshll.u32 s28, $0x1;
	[dreg:$0x2] =	wrdreg s2  }
0xa9: {  	[dreg:$0x3] =	wrdreg s4  }
0xaa: {  	[dreg:$0x4] =	wrdreg $0xC0  }
0xab: {  	_ =	task [dreg:s6], $0x5FFFF  }
0xac: {  	[dreg:$0x1] =	wrdreg $0xFFFFFFFF  }
0xad: {  	[dreg:$0x0] =	wrdreg $0x60  }
0xae: {  	[dreg:$0x2] =	wrdreg s24  }
0xaf: {  	[dreg:$0x3] =	wrdreg $0x800  }
0xb0: {  	[dreg:$0x4] =	wrdreg $0x139000  }
0xb1: {  	[dreg:$0x5] =	wrdreg $0x9  }
0xb2: {  	_ =	task.clear_ibuf [dreg:s6], $0x6FFFF;
	_ =	strace $0x90000046  }
0xb3: {  	s29 =	simm.s32 $0x9;
	_ =	strace $0x80000048  }
0xb4: {  	_ =	swait.ge [sflag:s29], $0x1  }
0xb5: {  	[sflag:s29] =	ssyncadd.s32 $0xFFFFFFFF  }
0xb6: {  	_ =	strace $0x90000048  }
0xb7: {  	_ =	sfence  }
0xb8: {  	s30 =	sld [smem:$0x0];
	_ =	sdelay $0x2  }
0xb9: {  	s31 =	sshll.u32 s1, $0xD;
	s1 =	sshrl.u32 s1, $0x2  }
0xba: {  	s3 =	sand.u32 $0x4000, s31;
	s1 =	sadd.s32 s1, s30  }
0xbb: {  	s0 =	sor.u32 s3, s0;
	s1 =	sshll.u32 s1, $0x11  }
0xbc: {  	s0 =	sor.u32 s1, s0  }
0xbd: {  	s0 =	sadd.s32 $0x8F2B, s0  }
0xbe: {  	[sflag:s0] =	ssyncadd.remote.s32 $0x1  }
0xbf: {  	_ =	sfence.sel $0xFFFF  }
0xc0: {  	[dreg:$0x0] =	wrdreg $0xFFFFFFFF;
	(pc) =	sbr.abs _section_cstart, $3  }
0xc1: {  	[dreg:$0x1] =	wrdreg $0xFFFFFFFF  }
0xc2: {  	_ =	task.clear_ibuf [dreg:s6], $0x2FFFF;
	_ =	strace $0x9FFFFFFF  }
0xc3: {  	(tm) =	ssettm $0x7FFFFFFF  }
tec
execute0_lowered:
.L_overlay_start_1:
0x0: {  	(tag) =	ssettag $0x1  }
0x1: {  	s11 =	rddreg [dreg:$0x0]  }
0x2: {  	s5 =	rddreg [dreg:$0x1]  }
0x3: {  	s9 =	rddreg [dreg:$0x2]  }
0x4: {  	s0 =	rddreg [dreg:$0x3];
	s1 =	simm.s32 $0x0  }
0x5: {  	[smem:$0x7FF] =	sst s1  }
0x6: {  	s3 =	simm.s32 $0x1;
	s2 =	sadd.s32 $0x15C00, s11;
	_ =	strace $0x80000047  }
0x7: {  	[tilespmem:s1], [sflag:$0x1] =	stream.linear.gather [hbm4b:s2+s1], $0x80, $0x38;
	[tilespmem:$0x13B78] =	vst v63  }
0x8: {  	_ =	swait.ge [sflag:s3], $0x80  }
0x9: {  	s4 =	stileid.u32;
	[sflag:s3] =	ssyncset.done $0x0  }
0xa: {  	p0 =	sne.s32 s4, $0x0;
	[sflag:s3] =	ssyncadd.s32 $0xFFFFFF80  }
0xb: {  	s4 =	sadd.s32 $0x16400, s11;
	s6 =	sshrl.u32 @!p0 s5, $0x3;
	[bflag:$0x0] =	sbarrier.arrive @p0 $0xFFFF  }
0xc: {  	s7 =	simm.s32 @!p0 $0x1C01;
	s5 =	simm.s32 @!p0 $0x1;
	[bflag:$0x0] =	sbarrier.arrive @p0 $0xFFFF  }
0xd: {  	[spmem:s6], [sflag:s7] =	dma.local @!p0 [hbm:s4], $0x27100  }
0xe: {  	_ =	swait.ge @!p0 [sflag:s5], $0x27100  }
0xf: {  	s10 =	srdreg.scid;
	s8 =	sadd.s32 $0x3D600, s11;
	[sflag:s5] =	ssyncset.done @!p0 $0x0  }
0x10: {  	s10 =	sand.u32 $0x1, s10;
	s9 =	sshrl.u32 @!p0 s9, $0x3;
	[sflag:s5] =	ssyncadd.s32 @!p0 $0xFFFD8F00  }
0x11: {  	[spmem:s9], [sflag:s7] =	dma.local @!p0 [hbm:s8], $0x4F0  }
0x12: {  	s12 =	smul.u32 $0x27100, s10;
	s14 =	ssub.s32 $0x2, s10;
	_ =	swait.ge @!p0 [sflag:s5], $0x4F0  }
0x13: {  	s13 =	smul.u32 $0x4F0, s10;
	s15 =	sshrl.u32 s14, $0x1;
	[sflag:s5] =	ssyncset.done @!p0 $0x0  }
0x14: {  	s12 =	sadd.s32 s12, s11;
	s31 =	ssub.s32 s14, s15;
	[sflag:s5] =	ssyncadd.s32 @!p0 $0xFFFFFB10  }
0x15: {  	s10 =	sadd.s32 $0x3E600, s12;
	s12 =	smax.u32 s31, $0x1;
	[bflag:$0x0] =	sbarrier.arrive @!p0 $0xFFFF  }
0x16: {  	s12 =	sadd.s32 $0xFFFFFFFF, s12;
	[bflag:$0x0] =	sbarrier.arrive @!p0 $0xFFFF  }
0x17: {  	[hbm:s10], [sflag:s7] =	dma.local @!p0 [spmem:s6], $0x27100  }
0x18: {  	p1 =	sne.s32 s12, $0x0;
	_ =	swait.ge @!p0 [sflag:s5], $0x27100  }
.Ltmp0:
0x19: {  	s11 =	sadd.s32 s13, s11;
	[sflag:s5] =	ssyncset.done @!p0 $0x0;
	(pc) =	sbr.rel @!p1 .LBB2_2-.Ltmp0, $4  }
0x1a: {  	s11 =	sadd.s32 $0x3DC00, s11;
	[sflag:s5] =	ssyncadd.s32 @!p0 $0xFFFD8F00  }
0x1b: {  	[hbm:s11], [sflag:s7] =	dma.local @!p0 [spmem:s9], $0x4F0  }
0x1c: {  	_ =	swait.ge @!p0 [sflag:s5], $0x4F0  }
0x1d: {  	[sflag:s5] =	ssyncset.done @!p0 $0x0  }
.LBB2_1:
0x1e: {  	s12 =	sadd.s32 $0xFFFFFFFF, s12;
	[sflag:s5] =	ssyncadd.s32 @!p0 $0xFFFFFB10  }
0x1f: {  	[tilespmem:s1], [sflag:$0x1] =	stream.linear.gather [hbm4b:s2+s1], $0x80, $0x38;
	[tilespmem:$0x13B78] =	vst v63  }
0x20: {  	p1 =	sne.s32 s12, $0x0;
	_ =	swait.ge [sflag:s3], $0x80  }
0x21: {  	[sflag:s3] =	ssyncset.done $0x0  }
0x22: {  	[sflag:s3] =	ssyncadd.s32 $0xFFFFFF80  }
0x23: {  	[bflag:$0x0] =	sbarrier.arrive @p0 $0xFFFF  }
0x24: {  	[bflag:$0x0] =	sbarrier.arrive @p0 $0xFFFF  }
0x25: {  	[spmem:s6], [sflag:s7] =	dma.local @!p0 [hbm:s4], $0x27100  }
0x26: {  	_ =	swait.ge @!p0 [sflag:s5], $0x27100  }
0x27: {  	[sflag:s5] =	ssyncset.done @!p0 $0x0  }
0x28: {  	[sflag:s5] =	ssyncadd.s32 @!p0 $0xFFFD8F00  }
0x29: {  	[spmem:s9], [sflag:s7] =	dma.local @!p0 [hbm:s8], $0x4F0  }
0x2a: {  	_ =	swait.ge @!p0 [sflag:s5], $0x4F0  }
0x2b: {  	[sflag:s5] =	ssyncset.done @!p0 $0x0  }
0x2c: {  	[sflag:s5] =	ssyncadd.s32 @!p0 $0xFFFFFB10  }
0x2d: {  	[bflag:$0x0] =	sbarrier.arrive @!p0 $0xFFFF  }
0x2e: {  	[bflag:$0x0] =	sbarrier.arrive @!p0 $0xFFFF  }
0x2f: {  	[hbm:s10], [sflag:s7] =	dma.local @!p0 [spmem:s6], $0x27100  }
0x30: {  	_ =	swait.ge @!p0 [sflag:s5], $0x27100  }
.Ltmp1:
0x31: {  	[sflag:s5] =	ssyncset.done @!p0 $0x0;
	(pc) =	sbr.rel @p1 .LBB2_1-.Ltmp1, $4  }
0x32: {  	[sflag:s5] =	ssyncadd.s32 @!p0 $0xFFFD8F00  }
0x33: {  	[hbm:s11], [sflag:s7] =	dma.local @!p0 [spmem:s9], $0x4F0  }
0x34: {  	_ =	swait.ge @!p0 [sflag:s5], $0x4F0  }
0x35: {  	[sflag:s5] =	ssyncset.done @!p0 $0x0  }
.LBB2_2:
0x36: {  	[sflag:s5] =	ssyncadd.s32 @!p0 $0xFFFFFB10  }
0x37: {  	_ =	sfence.sel $0x180000  }
0x38: {  	[bflag:$0x0] =	sbarrier.arrive $0xFFFF  }
0x39: {  	_ =	strace $0x90000047  }
0x3a: {  	s0 =	sadd.s32 @!p0 $0x100000, s0;
	[bflag:$0x2] =	sbarrier.arrive $0xFFFF  }
0x3b: {  	[sflag:s0] =	ssyncadd.tile.s32 @!p0 $0x1;
	_ =	shalt  }
.Lfunc_end2:
_tile_overlayer_lowered:
.L_overlay_start_2:
0x3c: {  	(tag) =	ssettag $0x2  }
0x3d: {  	s0 =	rddreg [dreg:$0x0];
	s2 =	stileid.u32  }
0x3e: {  	s1 =	rddreg [dreg:$0x1];
	p0 =	sne.s32 s2, $0x0  }
0x3f: {  	s3 =	rddreg [dreg:$0x2];
	[bflag:$0x3] =	sbarrier.arrive $0xFFFF;
	s2 =	simm.s32 @!p0 $0x1C01  }
0x40: {  	[timem:s3], [sflag:s2] =	dma.local @!p0 [hbm:s0], s1  }
0x41: {  	s0 =	simm.s32 @!p0 $0x1  }
0x42: {  	_ =	swait.ge @!p0 [sflag:s0], s1  }
0x43: {  	s1 =	ssub.s32 @!p0 $0x0, s1;
	[sflag:s0] =	ssyncset.done @!p0 $0x0  }
0x44: {  	[sflag:s0] =	ssyncadd.s32 @!p0 s1  }
0x45: {  	[bflag:$0x3] =	sbarrier.arrive $0xFFFF  }
0x46: {  	_ =	shalt  }

</sc_bundles>
